<compile_context>
chip_gen: v7x
topology: tpu7x:2x2x1
jax: 0.10.2.dev20260603
libtpu: 0.0.44.dev20260713+nightly
codegen_flags: <defaults>
</compile_context>

<pallas_src>
import functools

import jax
import jax.numpy as jnp
from jax import lax
from jax.experimental import pallas as pl
from jax.experimental.pallas import tpu as pltpu
from jax.experimental.pallas import tpu_sc as plsc

K = 32
QB = 256
CB = 2048
CH = 128
CPT = CB // CH
NEG = float("-inf")
BIG_I = 2**30
NW = 32
NC = 2


def _a_kernel(q_ref, xt_ref, d_ref, g2_ref, *, n_total):
    j = pl.program_id(0)
    q = q_ref[...]
    xt = xt_ref[...]
    xx = jnp.sum(q * q, axis=1, keepdims=True)
    yy = jnp.sum(xt * xt, axis=1)
    mm = lax.dot_general(q, xt, (((1,), (1,)), ((), ())),
                         preferred_element_type=jnp.float32)
    d2 = jnp.maximum(xx + yy[None, :] - 2.0 * mm, 0.0)
    lane = lax.broadcasted_iota(jnp.int32, (QB, CB), 1)
    d2 = jnp.where(j * CB + lane < n_total, d2, -1.0)
    d3 = d2.reshape(QB, CPT, CH)
    d_ref[...] = d3
    g2_ref[0] = jnp.max(d3, axis=2)


def _a2_kernel(g2_ref, cvals_ref, cids_ref, g2_s, *, nch):
    graw = g2_ref[...]
    g2_s[...] = jnp.where(graw >= 0.0, jnp.sqrt(graw), NEG)
    lane = lax.broadcasted_iota(jnp.int32, (QB, nch), 1)
    lane_k = lax.broadcasted_iota(jnp.int32, (QB, K), 1)

    def body(t, carry):
        cv, ci = carry
        g = g2_s[...]
        m = jnp.max(g, axis=1)
        ism = g == m[:, None]
        loc = jnp.min(jnp.where(ism, lane, BIG_I), axis=1)
        g2_s[...] = jnp.where(lane == loc[:, None], NEG, g)
        onk = lane_k == t
        cv = jnp.where(onk, m[:, None], cv)
        ci = jnp.where(onk, loc[:, None], ci)
        return cv, ci

    cv, ci = lax.fori_loop(
        0, K, body,
        (jnp.full((QB, K), NEG, jnp.float32), jnp.zeros((QB, K), jnp.int32)))
    cvals_ref[...] = cv
    cids_ref[...] = ci


def _sc_body(dv_hbm, cids_hbm, gath_hbm, cid_v, gi_v, rows_v, sem,
             *, nch, nqw, qbase):
    wid = lax.axis_index("s") * NC + lax.axis_index("c")

    def qbody(qi, _):
        q = wid * nqw + qi
        pltpu.sync_copy(cids_hbm.at[q], cid_v)
        c0 = cid_v[pl.ds(0, 16)]
        c1 = cid_v[pl.ds(16, 16)]
        gi_v[pl.ds(0, 16)] = c0 + (q + qbase) * nch
        gi_v[pl.ds(16, 16)] = c1 + (q + qbase) * nch
        pltpu.async_copy(dv_hbm.at[gi_v], rows_v, sem).wait()
        pltpu.sync_copy(rows_v, gath_hbm.at[q])
        return 0

    lax.fori_loop(0, nqw, qbody, 0)


def _c_kernel(g_ref, cids_ref, vals_ref, idx_ref, *, ncand):
    lane_k = lax.broadcasted_iota(jnp.int32, (QB, K), 1)
    sub = lax.broadcasted_iota(jnp.int32, (QB, K, CH), 2)
    ci = cids_ref[...]
    kidx = (ci[:, :, None] * CH + sub).reshape(QB, ncand)
    g = g_ref[...].reshape(QB, ncand)
    v = jnp.where(g >= 0.0, jnp.sqrt(g), NEG)

    def body(t, carry):
        v, ov, oi = carry
        m = jnp.max(v, axis=1)
        ism = v == m[:, None]
        li = jnp.min(jnp.where(ism, kidx, BIG_I), axis=1)
        sel = ism & (kidx == li[:, None])
        v = jnp.where(sel, NEG, v)
        onk = lane_k == t
        ov = jnp.where(onk, m[:, None], ov)
        oi = jnp.where(onk, li[:, None], oi)
        return v, ov, oi

    _, ov, oi = lax.fori_loop(
        0, K, body,
        (v, jnp.full((QB, K), NEG, jnp.float32), jnp.zeros((QB, K), jnp.int32)))
    vals_ref[...] = ov
    idx_ref[...] = oi


def kernel(x_test, x_train, y_train):
    del y_train
    q, d = x_test.shape
    n, _ = x_train.shape
    nkt = -(-n // CB)
    npad = nkt * CB
    if npad != n:
        x_train = jnp.pad(x_train, ((0, npad - n), (0, 0)))
    nqt = q // QB
    nch = nkt * CPT

    dmat, g2 = pl.pallas_call(
        functools.partial(_a_kernel, n_total=n),
        grid=(nkt, nqt),
        in_specs=[
            pl.BlockSpec((QB, d), lambda j, i: (i, 0)),
            pl.BlockSpec((CB, d), lambda j, i: (j, 0)),
        ],
        out_specs=[
            pl.BlockSpec((QB, CPT, CH), lambda j, i: (i, j, 0)),
            pl.BlockSpec((1, QB, CPT), lambda j, i: (j, i, 0)),
        ],
        out_shape=[
            jax.ShapeDtypeStruct((q, nch, CH), jnp.float32),
            jax.ShapeDtypeStruct((nkt, q, CPT), jnp.float32),
        ],
        compiler_params=pltpu.CompilerParams(
            dimension_semantics=("arbitrary", "parallel")),
    )(x_test, x_train)

    g2t = jnp.transpose(g2, (1, 0, 2)).reshape(q, nch)
    dv = dmat.reshape(q * nch, CH)
    ncand = K * CH

    halves = []
    hq = q // 2
    for h in range(2):
        g2h = jax.lax.slice_in_dim(g2t, h * hq, (h + 1) * hq, axis=0)
        cvals, cids = pl.pallas_call(
            functools.partial(_a2_kernel, nch=nch),
            grid=(hq // QB,),
            in_specs=[pl.BlockSpec((QB, nch), lambda i: (i, 0))],
            out_specs=[
                pl.BlockSpec((QB, K), lambda i: (i, 0)),
                pl.BlockSpec((QB, K), lambda i: (i, 0)),
            ],
            out_shape=[
                jax.ShapeDtypeStruct((hq, K), jnp.float32),
                jax.ShapeDtypeStruct((hq, K), jnp.int32),
            ],
            scratch_shapes=[pltpu.VMEM((QB, nch), jnp.float32)],
            compiler_params=pltpu.CompilerParams(
                dimension_semantics=("parallel",)),
        )(g2h)

        sc_fn = pl.kernel(
            functools.partial(_sc_body, nch=nch, nqw=hq // NW, qbase=h * hq),
            out_type=[jax.ShapeDtypeStruct((hq, K, CH), jnp.float32)],
            mesh=plsc.VectorSubcoreMesh(core_axis_name="c",
                                        subcore_axis_name="s"),
            scratch_types=[
                pltpu.VMEM((K,), jnp.int32),
                pltpu.VMEM((K,), jnp.int32),
                pltpu.VMEM((K, CH), jnp.float32),
                pltpu.SemaphoreType.DMA,
            ],
        )
        (gath,) = sc_fn(dv, cids)

        vh, ih = pl.pallas_call(
            functools.partial(_c_kernel, ncand=ncand),
            grid=(hq // QB,),
            in_specs=[
                pl.BlockSpec((QB, K, CH), lambda i: (i, 0, 0)),
                pl.BlockSpec((QB, K), lambda i: (i, 0)),
            ],
            out_specs=[
                pl.BlockSpec((QB, K), lambda i: (i, 0)),
                pl.BlockSpec((QB, K), lambda i: (i, 0)),
            ],
            out_shape=[
                jax.ShapeDtypeStruct((hq, K), jnp.float32),
                jax.ShapeDtypeStruct((hq, K), jnp.int32),
            ],
            compiler_params=pltpu.CompilerParams(
                dimension_semantics=("parallel",)),
        )(gath, cids)
        halves.append((vh, ih))

    vals = jnp.concatenate([halves[0][0], halves[1][0]], axis=0)
    idx = jnp.concatenate([halves[0][1], halves[1][1]], axis=0)
    return vals, idx

# --- scband reference (transcript-rebuilt; emitter-appended) ---
"""Pipeline reference for scband-k-nn-57878979280927 (READ-ONLY COPY).

The authoritative reference and input builder live on the scoring server;
editing this copy changes nothing except your own understanding.
"""

import jax, jax.numpy as jnp
import numpy as np

K_NEIGHBORS = 32


def setup_inputs(seed: int = 0) -> dict:
    key = jax.random.key(seed)
    k1, k2, k3 = jax.random.split(key, 3)
    x_test = jax.random.normal(k1, (4096, 128), dtype=jnp.float32)
    x_train = jax.random.normal(k2, (100000, 128), dtype=jnp.float32)
    y_train = jax.random.randint(k3, (100000,), 0, 15, dtype=jnp.int32)
    return {"x_test": x_test, "x_train": x_train, "y_train": y_train}


def reference(x_test, x_train, y_train):
    # torch.cdist(x_test, x_train, p=2) via the expanded quadratic form
    # (same math torch uses in its mm-based euclidean mode)
    xx = jnp.sum(x_test * x_test, axis=1, keepdims=True)        # [Q, 1]
    yy = jnp.sum(x_train * x_train, axis=1)                     # [K]
    d2 = xx + yy[None, :] - 2.0 * (x_test @ x_train.T)          # [Q, K]
    dist = jnp.sqrt(jnp.maximum(d2, 0.0))
    # torch's dist.topk(k) defaults to largest=True -> k LARGEST distances
    values, indices = jax.lax.top_k(dist, K_NEIGHBORS)
    return (values, indices)

if __name__ == "__main__":
    import jax
    _d = setup_inputs()
    print(jax.jit(kernel)(*tuple(_d.values())))

</pallas_src>

<mosaic_0001>
#map = affine_map<(d0, d1) -> (0, 0)>
#map1 = affine_map<(d0, d1) -> (0, 0, 0)>
module attributes {stable_mosaic.version = 14 : i64} {
  func.func @_sc_body(%arg0: i32, %arg1: i32, %arg2: memref<3211264x128xf32, #tpu.memory_space<hbm>>, %arg3: memref<2048x32xi32, #tpu.memory_space<hbm>>, %arg4: memref<2048x32x128xf32, #tpu.memory_space<hbm>>, %arg5: memref<32xi32, #tpu.memory_space<vmem>>, %arg6: memref<32xi32, #tpu.memory_space<vmem>>, %arg7: memref<32x128xf32, #tpu.memory_space<vmem>>, %arg8: memref<!tpu.dma_semaphore, #tpu.memory_space<semaphore_mem>>) attributes {dimension_semantics = [#tpu.dimension_semantics<core_parallel>, #tpu.dimension_semantics<subcore_parallel>], iteration_bounds = array<i64: 2, 16>, scalar_prefetch = 0 : i64, scratch_operands = 4 : i64, tpu.core_type = #tpu.core_type<sc_vector_subcore>, window_params = [{transform_indices = #map}, {transform_indices = #map}, {transform_indices = #map1}]} {
    %mul3A = arith.constant 2 : i32
    %mul3A_0 = arith.muli %arg1, %mul3A : i32
    %add3A = arith.addi %mul3A_0, %arg0 : i32
    %scan3A = arith.constant 0 : i32
    %scan3A_1 = arith.constant 0 : i32
    %scan3A_2 = arith.constant 64 : i32
    %scan3A_3 = arith.addi %scan3A_1, %scan3A_2 : i32
    %scan3A_4 = arith.constant 1 : i32
    %scan3A_5 = scf.for %scan3A_7 = %scan3A_1 to %scan3A_3 step %scan3A_4 iter_args(%scan3A_8 = %scan3A) -> (i32)  : i32 {
      %mul3A_9 = arith.constant 64 : i32
      %mul3A_10 = arith.muli %add3A, %mul3A_9 : i32
      %add3A_11 = arith.addi %mul3A_10, %scan3A_7 : i32
      "tpu.region"() ({
        %run_scoped3A = tpu.sem_alloc : memref<!tpu.dma_semaphore, #tpu.memory_space<semaphore_mem>>
        %dma_start3A_41 = arith.constant 0 : i32
        %dma_start3A_42 = tpu.memref_slice %arg3[%add3A_11, %dma_start3A_41] : memref<2048x32xi32, #tpu.memory_space<hbm>> -> memref<1x32xi32, #tpu.memory_space<hbm>>
        %dma_start3A_43 = tpu.memref_squeeze %dma_start3A_42 : memref<1x32xi32, #tpu.memory_space<hbm>> -> memref<32xi32, #tpu.memory_space<hbm>>
        %dma_start3A_44 = arith.constant 0 : i32
        %dma_start3A_45 = tpu.memref_slice %arg3[%add3A_11, %dma_start3A_44] : memref<2048x32xi32, #tpu.memory_space<hbm>> -> memref<1x32xi32, #tpu.memory_space<hbm>>
        %dma_start3A_46 = tpu.memref_squeeze %dma_start3A_45 : memref<1x32xi32, #tpu.memory_space<hbm>> -> memref<32xi32, #tpu.memory_space<hbm>>
        tpu.enqueue_dma source(%dma_start3A_46 : memref<32xi32, #tpu.memory_space<hbm>>) target(%arg5 : memref<32xi32, #tpu.memory_space<vmem>>) target_semaphore(%run_scoped3A : memref<!tpu.dma_semaphore, #tpu.memory_space<semaphore_mem>>)
        %dma_wait3A_47 = arith.constant 0 : i32
        %dma_wait3A_48 = tpu.memref_slice %arg3[%add3A_11, %dma_wait3A_47] : memref<2048x32xi32, #tpu.memory_space<hbm>> -> memref<1x32xi32, #tpu.memory_space<hbm>>
        %dma_wait3A_49 = tpu.memref_squeeze %dma_wait3A_48 : memref<1x32xi32, #tpu.memory_space<hbm>> -> memref<32xi32, #tpu.memory_space<hbm>>
        %dma_wait3A_50 = arith.constant 0 : i32
        %dma_wait3A_51 = tpu.memref_slice %arg3[%add3A_11, %dma_wait3A_50] : memref<2048x32xi32, #tpu.memory_space<hbm>> -> memref<1x32xi32, #tpu.memory_space<hbm>>
        %dma_wait3A_52 = tpu.memref_squeeze %dma_wait3A_51 : memref<1x32xi32, #tpu.memory_space<hbm>> -> memref<32xi32, #tpu.memory_space<hbm>>
        tpu.wait_dma2 semaphore(%run_scoped3A : memref<!tpu.dma_semaphore, #tpu.memory_space<semaphore_mem>>) src(%dma_wait3A_52 : memref<32xi32, #tpu.memory_space<hbm>>) dst(%arg5 : memref<32xi32, #tpu.memory_space<vmem>>)
        tpu.yield
      }) : () -> ()
      %get3A = arith.constant 0 : index
      %get3A_12 = tpu.vector_load %arg5[%get3A] {strides = array<i32>} : memref<32xi32, #tpu.memory_space<vmem>>, vector<16xi32>,
      %get3A_13 = vector.shape_cast %get3A_12 : vector<16xi32> to vector<16xi32>
      %get3A_14 = arith.constant 16 : index
      %get3A_15 = tpu.vector_load %arg5[%get3A_14] {strides = array<i32>} : memref<32xi32, #tpu.memory_space<vmem>>, vector<16xi32>,
      %get3A_16 = vector.shape_cast %get3A_15 : vector<16xi32> to vector<16xi32>
      %add3A_17 = arith.constant 2048 : i32
      %add3A_18 = arith.addi %add3A_11, %add3A_17 : i32
      %mul3A_19 = arith.constant 784 : i32
      %mul3A_20 = arith.muli %add3A_18, %mul3A_19 : i32
      %add3A_21 = vector.broadcast %mul3A_20 : i32 to vector<16xi32>
      %add3A_22 = arith.addi %get3A_13, %add3A_21 : vector<16xi32>
      %swap3A = arith.constant 0 : index
      %swap3A_23 = tpu.vector_load %arg6[%swap3A] {strides = array<i32>} : memref<32xi32, #tpu.memory_space<vmem>>, vector<16xi32>,
      %swap3A_24 = vector.shape_cast %swap3A_23 : vector<16xi32> to vector<16xi32>
      %swap3A_25 = vector.shape_cast %add3A_22 : vector<16xi32> to vector<16xi32>
      tpu.vector_store %arg6[%swap3A], %swap3A_25 {strides = array<i32>} : memref<32xi32, #tpu.memory_space<vmem>>, vector<16xi32>,
      %add3A_26 = arith.constant 2048 : i32
      %add3A_27 = arith.addi %add3A_11, %add3A_26 : i32
      %mul3A_28 = arith.constant 784 : i32
      %mul3A_29 = arith.muli %add3A_27, %mul3A_28 : i32
      %add3A_30 = vector.broadcast %mul3A_29 : i32 to vector<16xi32>
      %add3A_31 = arith.addi %get3A_16, %add3A_30 : vector<16xi32>
      %swap3A_32 = arith.constant 16 : index
      %swap3A_33 = tpu.vector_load %arg6[%swap3A_32] {strides = array<i32>} : memref<32xi32, #tpu.memory_space<vmem>>, vector<16xi32>,
      %swap3A_34 = vector.shape_cast %swap3A_33 : vector<16xi32> to vector<16xi32>
      %swap3A_35 = vector.shape_cast %add3A_31 : vector<16xi32> to vector<16xi32>
      tpu.vector_store %arg6[%swap3A_32], %swap3A_35 {strides = array<i32>} : memref<32xi32, #tpu.memory_space<vmem>>, vector<16xi32>,
      %dma_start3A = arith.constant 0 : i32
      %dma_start3A_36 = arith.constant 0 : i32
      %dma_start3A_37 = tpu.memref_slice %arg2[%dma_start3A, %dma_start3A_36] : memref<3211264x128xf32, #tpu.memory_space<hbm>> -> memref<3211264x128xf32, #tpu.memory_space<hbm>>
      tpu.enqueue_indirect_dma source(%dma_start3A_37 : memref<3211264x128xf32, #tpu.memory_space<hbm>>) target(%arg7 : memref<32x128xf32, #tpu.memory_space<vmem>>) offsets(%arg6 : memref<32xi32, #tpu.memory_space<vmem>>) semaphore(%arg8 : memref<!tpu.dma_semaphore, #tpu.memory_space<semaphore_mem>>)
      %dma_wait3A = arith.constant 0 : i32
      %dma_wait3A_38 = arith.constant 0 : i32
      %dma_wait3A_39 = tpu.memref_slice %arg2[%dma_wait3A, %dma_wait3A_38] : memref<3211264x128xf32, #tpu.memory_space<hbm>> -> memref<3211264x128xf32, #tpu.memory_space<hbm>>
      tpu.wait_indirect_dma semaphore(%arg8 : memref<!tpu.dma_semaphore, #tpu.memory_space<semaphore_mem>>) src(%dma_wait3A_39 : memref<3211264x128xf32, #tpu.memory_space<hbm>>) dst(%arg7 : memref<32x128xf32, #tpu.memory_space<vmem>>)
      "tpu.region"() ({
        %run_scoped3A = tpu.sem_alloc : memref<!tpu.dma_semaphore, #tpu.memory_space<semaphore_mem>>
        %dma_start3A_41 = arith.constant 0 : i32
        %dma_start3A_42 = arith.constant 0 : i32
        %dma_start3A_43 = tpu.memref_slice %arg4[%add3A_11, %dma_start3A_41, %dma_start3A_42] : memref<2048x32x128xf32, #tpu.memory_space<hbm>> -> memref<1x32x128xf32, #tpu.memory_space<hbm>>
        %dma_start3A_44 = tpu.memref_squeeze %dma_start3A_43 : memref<1x32x128xf32, #tpu.memory_space<hbm>> -> memref<32x128xf32, #tpu.memory_space<hbm>>
        %dma_start3A_45 = arith.constant 0 : i32
        %dma_start3A_46 = arith.constant 0 : i32
        %dma_start3A_47 = tpu.memref_slice %arg4[%add3A_11, %dma_start3A_45, %dma_start3A_46] : memref<2048x32x128xf32, #tpu.memory_space<hbm>> -> memref<1x32x128xf32, #tpu.memory_space<hbm>>
        %dma_start3A_48 = tpu.memref_squeeze %dma_start3A_47 : memref<1x32x128xf32, #tpu.memory_space<hbm>> -> memref<32x128xf32, #tpu.memory_space<hbm>>
        tpu.enqueue_dma source(%arg7 : memref<32x128xf32, #tpu.memory_space<vmem>>) target(%dma_start3A_48 : memref<32x128xf32, #tpu.memory_space<hbm>>) target_semaphore(%run_scoped3A : memref<!tpu.dma_semaphore, #tpu.memory_space<semaphore_mem>>)
        %dma_wait3A_49 = arith.constant 0 : i32
        %dma_wait3A_50 = arith.constant 0 : i32
        %dma_wait3A_51 = tpu.memref_slice %arg4[%add3A_11, %dma_wait3A_49, %dma_wait3A_50] : memref<2048x32x128xf32, #tpu.memory_space<hbm>> -> memref<1x32x128xf32, #tpu.memory_space<hbm>>
        %dma_wait3A_52 = tpu.memref_squeeze %dma_wait3A_51 : memref<1x32x128xf32, #tpu.memory_space<hbm>> -> memref<32x128xf32, #tpu.memory_space<hbm>>
        %dma_wait3A_53 = arith.constant 0 : i32
        %dma_wait3A_54 = arith.constant 0 : i32
        %dma_wait3A_55 = tpu.memref_slice %arg4[%add3A_11, %dma_wait3A_53, %dma_wait3A_54] : memref<2048x32x128xf32, #tpu.memory_space<hbm>> -> memref<1x32x128xf32, #tpu.memory_space<hbm>>
        %dma_wait3A_56 = tpu.memref_squeeze %dma_wait3A_55 : memref<1x32x128xf32, #tpu.memory_space<hbm>> -> memref<32x128xf32, #tpu.memory_space<hbm>>
        tpu.wait_dma2 semaphore(%run_scoped3A : memref<!tpu.dma_semaphore, #tpu.memory_space<semaphore_mem>>) src(%arg7 : memref<32x128xf32, #tpu.memory_space<vmem>>) dst(%dma_wait3A_56 : memref<32x128xf32, #tpu.memory_space<hbm>>)
        tpu.yield
      }) : () -> ()
      %scan3A_40 = arith.constant 0 : i32
      scf.yield %scan3A_40 : i32
    }
    %scan3A_6 = arith.constant 64 : i32
    return
  }
}

#map = affine_map<(d0, d1) -> (0, 0)>
#map1 = affine_map<(d0, d1) -> (0, 0, 0)>
module attributes {stable_mosaic.version = 14 : i64} {
  func.func @_sc_body(%arg0: i32, %arg1: i32, %arg2: memref<3211264x128xf32, #tpu.memory_space<hbm>>, %arg3: memref<2048x32xi32, #tpu.memory_space<hbm>>, %arg4: memref<2048x32x128xf32, #tpu.memory_space<hbm>>, %arg5: memref<32xi32, #tpu.memory_space<vmem>>, %arg6: memref<32xi32, #tpu.memory_space<vmem>>, %arg7: memref<32x128xf32, #tpu.memory_space<vmem>>, %arg8: memref<!tpu.dma_semaphore, #tpu.memory_space<semaphore_mem>>) attributes {dimension_semantics = [#tpu.dimension_semantics<core_parallel>, #tpu.dimension_semantics<subcore_parallel>], iteration_bounds = array<i64: 2, 16>, scalar_prefetch = 0 : i64, scratch_operands = 4 : i64, tpu.core_type = #tpu.core_type<sc_vector_subcore>, window_params = [{transform_indices = #map}, {transform_indices = #map}, {transform_indices = #map1}]} {
    %mul3A = arith.constant 2 : i32
    %mul3A_0 = arith.muli %arg1, %mul3A : i32
    %add3A = arith.addi %mul3A_0, %arg0 : i32
    %scan3A = arith.constant 0 : i32
    %scan3A_1 = arith.constant 0 : i32
    %scan3A_2 = arith.constant 64 : i32
    %scan3A_3 = arith.addi %scan3A_1, %scan3A_2 : i32
    %scan3A_4 = arith.constant 1 : i32
    %scan3A_5 = scf.for %scan3A_7 = %scan3A_1 to %scan3A_3 step %scan3A_4 iter_args(%scan3A_8 = %scan3A) -> (i32)  : i32 {
      %mul3A_9 = arith.constant 64 : i32
      %mul3A_10 = arith.muli %add3A, %mul3A_9 : i32
      %add3A_11 = arith.addi %mul3A_10, %scan3A_7 : i32
      "tpu.region"() ({
        %run_scoped3A = tpu.sem_alloc : memref<!tpu.dma_semaphore, #tpu.memory_space<semaphore_mem>>
        %dma_start3A_41 = arith.constant 0 : i32
        %dma_start3A_42 = tpu.memref_slice %arg3[%add3A_11, %dma_start3A_41] : memref<2048x32xi32, #tpu.memory_space<hbm>> -> memref<1x32xi32, #tpu.memory_space<hbm>>
        %dma_start3A_43 = tpu.memref_squeeze %dma_start3A_42 : memref<1x32xi32, #tpu.memory_space<hbm>> -> memref<32xi32, #tpu.memory_space<hbm>>
        %dma_start3A_44 = arith.constant 0 : i32
        %dma_start3A_45 = tpu.memref_slice %arg3[%add3A_11, %dma_start3A_44] : memref<2048x32xi32, #tpu.memory_space<hbm>> -> memref<1x32xi32, #tpu.memory_space<hbm>>
        %dma_start3A_46 = tpu.memref_squeeze %dma_start3A_45 : memref<1x32xi32, #tpu.memory_space<hbm>> -> memref<32xi32, #tpu.memory_space<hbm>>
        tpu.enqueue_dma source(%dma_start3A_46 : memref<32xi32, #tpu.memory_space<hbm>>) target(%arg5 : memref<32xi32, #tpu.memory_space<vmem>>) target_semaphore(%run_scoped3A : memref<!tpu.dma_semaphore, #tpu.memory_space<semaphore_mem>>)
        %dma_wait3A_47 = arith.constant 0 : i32
        %dma_wait3A_48 = tpu.memref_slice %arg3[%add3A_11, %dma_wait3A_47] : memref<2048x32xi32, #tpu.memory_space<hbm>> -> memref<1x32xi32, #tpu.memory_space<hbm>>
        %dma_wait3A_49 = tpu.memref_squeeze %dma_wait3A_48 : memref<1x32xi32, #tpu.memory_space<hbm>> -> memref<32xi32, #tpu.memory_space<hbm>>
        %dma_wait3A_50 = arith.constant 0 : i32
        %dma_wait3A_51 = tpu.memref_slice %arg3[%add3A_11, %dma_wait3A_50] : memref<2048x32xi32, #tpu.memory_space<hbm>> -> memref<1x32xi32, #tpu.memory_space<hbm>>
        %dma_wait3A_52 = tpu.memref_squeeze %dma_wait3A_51 : memref<1x32xi32, #tpu.memory_space<hbm>> -> memref<32xi32, #tpu.memory_space<hbm>>
        tpu.wait_dma2 semaphore(%run_scoped3A : memref<!tpu.dma_semaphore, #tpu.memory_space<semaphore_mem>>) src(%dma_wait3A_52 : memref<32xi32, #tpu.memory_space<hbm>>) dst(%arg5 : memref<32xi32, #tpu.memory_space<vmem>>)
        tpu.yield
      }) : () -> ()
      %get3A = arith.constant 0 : index
      %get3A_12 = tpu.vector_load %arg5[%get3A] {strides = array<i32>} : memref<32xi32, #tpu.memory_space<vmem>>, vector<16xi32>,
      %get3A_13 = vector.shape_cast %get3A_12 : vector<16xi32> to vector<16xi32>
      %get3A_14 = arith.constant 16 : index
      %get3A_15 = tpu.vector_load %arg5[%get3A_14] {strides = array<i32>} : memref<32xi32, #tpu.memory_space<vmem>>, vector<16xi32>,
      %get3A_16 = vector.shape_cast %get3A_15 : vector<16xi32> to vector<16xi32>
      %add3A_17 = arith.constant 0 : i32
      %add3A_18 = arith.addi %add3A_11, %add3A_17 : i32
      %mul3A_19 = arith.constant 784 : i32
      %mul3A_20 = arith.muli %add3A_18, %mul3A_19 : i32
      %add3A_21 = vector.broadcast %mul3A_20 : i32 to vector<16xi32>
      %add3A_22 = arith.addi %get3A_13, %add3A_21 : vector<16xi32>
      %swap3A = arith.constant 0 : index
      %swap3A_23 = tpu.vector_load %arg6[%swap3A] {strides = array<i32>} : memref<32xi32, #tpu.memory_space<vmem>>, vector<16xi32>,
      %swap3A_24 = vector.shape_cast %swap3A_23 : vector<16xi32> to vector<16xi32>
      %swap3A_25 = vector.shape_cast %add3A_22 : vector<16xi32> to vector<16xi32>
      tpu.vector_store %arg6[%swap3A], %swap3A_25 {strides = array<i32>} : memref<32xi32, #tpu.memory_space<vmem>>, vector<16xi32>,
      %add3A_26 = arith.constant 0 : i32
      %add3A_27 = arith.addi %add3A_11, %add3A_26 : i32
      %mul3A_28 = arith.constant 784 : i32
      %mul3A_29 = arith.muli %add3A_27, %mul3A_28 : i32
      %add3A_30 = vector.broadcast %mul3A_29 : i32 to vector<16xi32>
      %add3A_31 = arith.addi %get3A_16, %add3A_30 : vector<16xi32>
      %swap3A_32 = arith.constant 16 : index
      %swap3A_33 = tpu.vector_load %arg6[%swap3A_32] {strides = array<i32>} : memref<32xi32, #tpu.memory_space<vmem>>, vector<16xi32>,
      %swap3A_34 = vector.shape_cast %swap3A_33 : vector<16xi32> to vector<16xi32>
      %swap3A_35 = vector.shape_cast %add3A_31 : vector<16xi32> to vector<16xi32>
      tpu.vector_store %arg6[%swap3A_32], %swap3A_35 {strides = array<i32>} : memref<32xi32, #tpu.memory_space<vmem>>, vector<16xi32>,
      %dma_start3A = arith.constant 0 : i32
      %dma_start3A_36 = arith.constant 0 : i32
      %dma_start3A_37 = tpu.memref_slice %arg2[%dma_start3A, %dma_start3A_36] : memref<3211264x128xf32, #tpu.memory_space<hbm>> -> memref<3211264x128xf32, #tpu.memory_space<hbm>>
      tpu.enqueue_indirect_dma source(%dma_start3A_37 : memref<3211264x128xf32, #tpu.memory_space<hbm>>) target(%arg7 : memref<32x128xf32, #tpu.memory_space<vmem>>) offsets(%arg6 : memref<32xi32, #tpu.memory_space<vmem>>) semaphore(%arg8 : memref<!tpu.dma_semaphore, #tpu.memory_space<semaphore_mem>>)
      %dma_wait3A = arith.constant 0 : i32
      %dma_wait3A_38 = arith.constant 0 : i32
      %dma_wait3A_39 = tpu.memref_slice %arg2[%dma_wait3A, %dma_wait3A_38] : memref<3211264x128xf32, #tpu.memory_space<hbm>> -> memref<3211264x128xf32, #tpu.memory_space<hbm>>
      tpu.wait_indirect_dma semaphore(%arg8 : memref<!tpu.dma_semaphore, #tpu.memory_space<semaphore_mem>>) src(%dma_wait3A_39 : memref<3211264x128xf32, #tpu.memory_space<hbm>>) dst(%arg7 : memref<32x128xf32, #tpu.memory_space<vmem>>)
      "tpu.region"() ({
        %run_scoped3A = tpu.sem_alloc : memref<!tpu.dma_semaphore, #tpu.memory_space<semaphore_mem>>
        %dma_start3A_41 = arith.constant 0 : i32
        %dma_start3A_42 = arith.constant 0 : i32
        %dma_start3A_43 = tpu.memref_slice %arg4[%add3A_11, %dma_start3A_41, %dma_start3A_42] : memref<2048x32x128xf32, #tpu.memory_space<hbm>> -> memref<1x32x128xf32, #tpu.memory_space<hbm>>
        %dma_start3A_44 = tpu.memref_squeeze %dma_start3A_43 : memref<1x32x128xf32, #tpu.memory_space<hbm>> -> memref<32x128xf32, #tpu.memory_space<hbm>>
        %dma_start3A_45 = arith.constant 0 : i32
        %dma_start3A_46 = arith.constant 0 : i32
        %dma_start3A_47 = tpu.memref_slice %arg4[%add3A_11, %dma_start3A_45, %dma_start3A_46] : memref<2048x32x128xf32, #tpu.memory_space<hbm>> -> memref<1x32x128xf32, #tpu.memory_space<hbm>>
        %dma_start3A_48 = tpu.memref_squeeze %dma_start3A_47 : memref<1x32x128xf32, #tpu.memory_space<hbm>> -> memref<32x128xf32, #tpu.memory_space<hbm>>
        tpu.enqueue_dma source(%arg7 : memref<32x128xf32, #tpu.memory_space<vmem>>) target(%dma_start3A_48 : memref<32x128xf32, #tpu.memory_space<hbm>>) target_semaphore(%run_scoped3A : memref<!tpu.dma_semaphore, #tpu.memory_space<semaphore_mem>>)
        %dma_wait3A_49 = arith.constant 0 : i32
        %dma_wait3A_50 = arith.constant 0 : i32
        %dma_wait3A_51 = tpu.memref_slice %arg4[%add3A_11, %dma_wait3A_49, %dma_wait3A_50] : memref<2048x32x128xf32, #tpu.memory_space<hbm>> -> memref<1x32x128xf32, #tpu.memory_space<hbm>>
        %dma_wait3A_52 = tpu.memref_squeeze %dma_wait3A_51 : memref<1x32x128xf32, #tpu.memory_space<hbm>> -> memref<32x128xf32, #tpu.memory_space<hbm>>
        %dma_wait3A_53 = arith.constant 0 : i32
        %dma_wait3A_54 = arith.constant 0 : i32
        %dma_wait3A_55 = tpu.memref_slice %arg4[%add3A_11, %dma_wait3A_53, %dma_wait3A_54] : memref<2048x32x128xf32, #tpu.memory_space<hbm>> -> memref<1x32x128xf32, #tpu.memory_space<hbm>>
        %dma_wait3A_56 = tpu.memref_squeeze %dma_wait3A_55 : memref<1x32x128xf32, #tpu.memory_space<hbm>> -> memref<32x128xf32, #tpu.memory_space<hbm>>
        tpu.wait_dma2 semaphore(%run_scoped3A : memref<!tpu.dma_semaphore, #tpu.memory_space<semaphore_mem>>) src(%arg7 : memref<32x128xf32, #tpu.memory_space<vmem>>) dst(%dma_wait3A_56 : memref<32x128xf32, #tpu.memory_space<hbm>>)
        tpu.yield
      }) : () -> ()
      %scan3A_40 = arith.constant 0 : i32
      scf.yield %scan3A_40 : i32
    }
    %scan3A_6 = arith.constant 64 : i32
    return
  }
}

module attributes {stable_mosaic.version = 14 : i64} {
  func.func @_a_kernel(%arg0: i32, %arg1: i32, %arg2: memref<256x128xf32, #tpu.memory_space<vmem>>, %arg3: memref<2048x128xf32, #tpu.memory_space<vmem>>, %arg4: memref<256x16x128xf32, #tpu.memory_space<vmem>>, %arg5: memref<1x256x16xf32, #tpu.memory_space<vmem>>) attributes {dimension_semantics = [#tpu.dimension_semantics<arbitrary>, #tpu.dimension_semantics<parallel>], iteration_bounds = array<i64: 49, 16>, scalar_prefetch = 0 : i64, scratch_operands = 0 : i64, tpu.core_type = #tpu.core_type<tc>, window_params = [{transform_indices = @transform_0, window_bounds = array<i64: 256, 128>}, {transform_indices = @transform_1, window_bounds = array<i64: 2048, 128>}, {transform_indices = @transform_2, window_bounds = array<i64: 256, 16, 128>}, {transform_indices = @transform_3, window_bounds = array<i64: 1, 256, 16>}]} {
    %get3A = arith.constant 0 : index
    %get3A_0 = arith.constant 0 : index
    %get3A_1 = vector.load %arg2[%get3A, %get3A_0] : memref<256x128xf32, #tpu.memory_space<vmem>>, vector<256x128xf32>
    %get3A_2 = arith.constant 0 : index
    %get3A_3 = arith.constant 0 : index
    %get3A_4 = vector.load %arg3[%get3A_2, %get3A_3] : memref<2048x128xf32, #tpu.memory_space<vmem>>, vector<2048x128xf32>
    %mul3A = arith.mulf %get3A_1, %get3A_1 : vector<256x128xf32>
    %reduce_sum3A = arith.constant dense<0.000000e+00> : vector<256xf32>
    %reduce_sum3A_5 = vector.multi_reduction <add>, %mul3A, %reduce_sum3A [1] : vector<256x128xf32> to vector<256xf32>
    %broadcast_in_dim3A = vector.shape_cast %reduce_sum3A_5 : vector<256xf32> to vector<256x1xf32>
    %mul3A_6 = arith.mulf %get3A_4, %get3A_4 : vector<2048x128xf32>
    %reduce_sum3A_7 = arith.constant dense<0.000000e+00> : vector<2048xf32>
    %reduce_sum3A_8 = vector.multi_reduction <add>, %mul3A_6, %reduce_sum3A_7 [1] : vector<2048x128xf32> to vector<2048xf32>
    %dot_general3A = arith.constant dense<0.000000e+00> : vector<256x2048xf32>
    %dot_general3A_9 = tpu.matmul %get3A_1, %get3A_4, %dot_general3A {dimension_numbers = #tpu.dot_dimension_numbers<[1], [1], [0], [0], [0, 0, 1, 0], [], []>, transpose_lhs_hint = false} : vector<256x128xf32>, vector<2048x128xf32>, vector<256x2048xf32> -> vector<256x2048xf32>
    %broadcast_in_dim3A_10 = vector.shape_cast %reduce_sum3A_8 : vector<2048xf32> to vector<1x2048xf32>
    %add3A = vector.broadcast %broadcast_in_dim3A : vector<256x1xf32> to vector<256x2048xf32>
    %add3A_11 = vector.broadcast %broadcast_in_dim3A_10 : vector<1x2048xf32> to vector<256x2048xf32>
    %add3A_12 = arith.addf %add3A, %add3A_11 : vector<256x2048xf32>
    %mul3A_13 = arith.constant 2.000000e+00 : f32
    %mul3A_14 = vector.broadcast %mul3A_13 : f32 to vector<256x2048xf32>
    %mul3A_15 = arith.mulf %mul3A_14, %dot_general3A_9 : vector<256x2048xf32>
    %sub3A = arith.subf %add3A_12, %mul3A_15 : vector<256x2048xf32>
    %max3A = arith.constant 0.000000e+00 : f32
    %max3A_16 = vector.broadcast %max3A : f32 to vector<256x2048xf32>
    %max3A_17 = arith.maximumf %sub3A, %max3A_16 : vector<256x2048xf32>
    %iota3A = tpu.iota {dimensions = array<i32: 1>} : vector<256x2048xi32>
    %mul3A_18 = arith.constant 2048 : i32
    %mul3A_19 = arith.muli %arg0, %mul3A_18 : i32
    %add3A_20 = vector.broadcast %mul3A_19 : i32 to vector<256x2048xi32>
    %add3A_21 = arith.addi %add3A_20, %iota3A : vector<256x2048xi32>
    %lt3A = arith.constant 100000 : i32
    %lt3A_22 = vector.broadcast %lt3A : i32 to vector<256x2048xi32>
    %lt3A_23 = arith.cmpi slt, %add3A_21, %lt3A_22 : vector<256x2048xi32>
    %jit3A = arith.constant -1.000000e+00 : f32
    %broadcast_in_dim3A_24 = vector.broadcast %jit3A : f32 to vector<256x2048xf32>
    %select_n3A = arith.select %lt3A_23, %max3A_17, %broadcast_in_dim3A_24 : vector<256x2048xi1>, vector<256x2048xf32>
    %reshape3A = vector.shape_cast %select_n3A : vector<256x2048xf32> to vector<256x16x128xf32>
    %swap3A = arith.constant 0 : index
    %swap3A_25 = arith.constant 0 : index
    %swap3A_26 = arith.constant 0 : index
    %swap3A_27 = vector.load %arg4[%swap3A, %swap3A_25, %swap3A_26] : memref<256x16x128xf32, #tpu.memory_space<vmem>>, vector<256x16x128xf32>
    tpu.vector_store %arg4[%swap3A, %swap3A_25, %swap3A_26], %reshape3A {strides = array<i32>} : memref<256x16x128xf32, #tpu.memory_space<vmem>>, vector<256x16x128xf32>,
    %reduce_max3A = arith.constant dense<0xFF800000> : vector<256x16xf32>
    %reduce_max3A_28 = vector.multi_reduction <maximumf>, %reshape3A, %reduce_max3A [2] : vector<256x16x128xf32> to vector<256x16xf32>
    %swap3A_29 = arith.constant 0 : index
    %swap3A_30 = arith.constant 0 : index
    %swap3A_31 = arith.constant 0 : index
    %swap3A_32 = vector.load %arg5[%swap3A_29, %swap3A_30, %swap3A_31] : memref<1x256x16xf32, #tpu.memory_space<vmem>>, vector<1x256x16xf32>
    %swap3A_33 = vector.shape_cast %swap3A_32 : vector<1x256x16xf32> to vector<256x16xf32>
    %swap3A_34 = vector.shape_cast %reduce_max3A_28 : vector<256x16xf32> to vector<1x256x16xf32>
    tpu.vector_store %arg5[%swap3A_29, %swap3A_30, %swap3A_31], %swap3A_34 {strides = array<i32>} : memref<1x256x16xf32, #tpu.memory_space<vmem>>, vector<1x256x16xf32>,
    return
  }
  func.func @transform_0(%arg0: i32, %arg1: i32) -> (i32, i32) {
    %c0_i32 = arith.constant 0 : i32
    %c0_i32_0 = arith.constant 0 : i32
    return %arg1, %c0_i32 : i32, i32
  }
  func.func @transform_1(%arg0: i32, %arg1: i32) -> (i32, i32) {
    %c0_i32 = arith.constant 0 : i32
    %c0_i32_0 = arith.constant 0 : i32
    return %arg0, %c0_i32 : i32, i32
  }
  func.func @transform_2(%arg0: i32, %arg1: i32) -> (i32, i32, i32) {
    %c0_i32 = arith.constant 0 : i32
    %c0_i32_0 = arith.constant 0 : i32
    return %arg1, %arg0, %c0_i32 : i32, i32, i32
  }
  func.func @transform_3(%arg0: i32, %arg1: i32) -> (i32, i32, i32) {
    %c0_i32 = arith.constant 0 : i32
    %c0_i32_0 = arith.constant 0 : i32
    return %arg0, %arg1, %c0_i32 : i32, i32, i32
  }
}

module attributes {stable_mosaic.version = 14 : i64} {
  func.func @_a2_kernel(%arg0: i32, %arg1: memref<256x784xf32, #tpu.memory_space<vmem>>, %arg2: memref<256x32xf32, #tpu.memory_space<vmem>>, %arg3: memref<256x32xi32, #tpu.memory_space<vmem>>, %arg4: memref<256x784xf32, #tpu.memory_space<vmem>>) attributes {dimension_semantics = [#tpu.dimension_semantics<parallel>], iteration_bounds = array<i64: 8>, scalar_prefetch = 0 : i64, scratch_operands = 1 : i64, tpu.core_type = #tpu.core_type<tc>, window_params = [{transform_indices = @transform_0, window_bounds = array<i64: 256, 784>}, {transform_indices = @transform_1, window_bounds = array<i64: 256, 32>}, {transform_indices = @transform_2, window_bounds = array<i64: 256, 32>}]} {
    %get3A = arith.constant 0 : index
    %get3A_0 = arith.constant 0 : index
    %get3A_1 = vector.load %arg1[%get3A, %get3A_0] : memref<256x784xf32, #tpu.memory_space<vmem>>, vector<256x784xf32>
    %ge3A = arith.constant 0.000000e+00 : f32
    %ge3A_2 = vector.broadcast %ge3A : f32 to vector<256x784xf32>
    %ge3A_3 = arith.cmpf oge, %get3A_1, %ge3A_2 : vector<256x784xf32>
    %sqrt3A = math.sqrt %get3A_1 : vector<256x784xf32>
    %jit3A = arith.constant 0xFF800000 : f32
    %broadcast_in_dim3A = vector.broadcast %jit3A : f32 to vector<256x784xf32>
    %select_n3A = arith.select %ge3A_3, %sqrt3A, %broadcast_in_dim3A : vector<256x784xi1>, vector<256x784xf32>
    %swap3A = arith.constant 0 : index
    %swap3A_4 = arith.constant 0 : index
    %swap3A_5 = vector.load %arg4[%swap3A, %swap3A_4] : memref<256x784xf32, #tpu.memory_space<vmem>>, vector<256x784xf32>
    tpu.vector_store %arg4[%swap3A, %swap3A_4], %select_n3A {strides = array<i32>} : memref<256x784xf32, #tpu.memory_space<vmem>>, vector<256x784xf32>,
    %iota3A = tpu.iota {dimensions = array<i32: 1>} : vector<256x784xi32>
    %iota3A_6 = tpu.iota {dimensions = array<i32: 1>} : vector<256x32xi32>
    %broadcast_in_dim3A_7 = arith.constant 0xFF800000 : f32
    %broadcast_in_dim3A_8 = vector.broadcast %broadcast_in_dim3A_7 : f32 to vector<256x32xf32>
    %broadcast_in_dim3A_9 = arith.constant 0 : i32
    %broadcast_in_dim3A_10 = vector.broadcast %broadcast_in_dim3A_9 : i32 to vector<256x32xi32>
    %scan3A = arith.constant 0 : i32
    %scan3A_11 = arith.constant 32 : i32
    %scan3A_12 = arith.addi %scan3A, %scan3A_11 : i32
    %scan3A_13 = arith.constant 1 : i32
    %scan3A_14:2 = scf.for %scan3A_22 = %scan3A to %scan3A_12 step %scan3A_13 iter_args(%scan3A_23 = %broadcast_in_dim3A_8, %scan3A_24 = %broadcast_in_dim3A_10) -> (vector<256x32xf32>, vector<256x32xi32>)  : i32 {
      %get3A_25 = arith.constant 0 : index
      %get3A_26 = arith.constant 0 : index
      %get3A_27 = vector.load %arg4[%get3A_25, %get3A_26] : memref<256x784xf32, #tpu.memory_space<vmem>>, vector<256x784xf32>
      %reduce_max3A = arith.constant dense<0xFF800000> : vector<256xf32>
      %reduce_max3A_28 = vector.multi_reduction <maximumf>, %get3A_27, %reduce_max3A [1] : vector<256x784xf32> to vector<256xf32>
      %broadcast_in_dim3A_29 = vector.shape_cast %reduce_max3A_28 : vector<256xf32> to vector<256x1xf32>
      %eq3A = vector.broadcast %broadcast_in_dim3A_29 : vector<256x1xf32> to vector<256x784xf32>
      %eq3A_30 = arith.cmpf oeq, %get3A_27, %eq3A : vector<256x784xf32>
      %jit3A_31 = arith.constant 1073741824 : i32
      %broadcast_in_dim3A_32 = vector.broadcast %jit3A_31 : i32 to vector<256x784xi32>
      %select_n3A_33 = arith.select %eq3A_30, %iota3A, %broadcast_in_dim3A_32 : vector<256x784xi1>, vector<256x784xi32>
      %reduce_min3A = arith.constant dense<2147483647> : vector<256xi32>
      %reduce_min3A_34 = vector.multi_reduction <minsi>, %select_n3A_33, %reduce_min3A [1] : vector<256x784xi32> to vector<256xi32>
      %broadcast_in_dim3A_35 = vector.shape_cast %reduce_min3A_34 : vector<256xi32> to vector<256x1xi32>
      %eq3A_36 = vector.broadcast %broadcast_in_dim3A_35 : vector<256x1xi32> to vector<256x784xi32>
      %eq3A_37 = arith.cmpi eq, %iota3A, %eq3A_36 : vector<256x784xi32>
      %jit3A_38 = arith.constant 0xFF800000 : f32
      %broadcast_in_dim3A_39 = vector.broadcast %jit3A_38 : f32 to vector<256x784xf32>
      %select_n3A_40 = arith.select %eq3A_37, %broadcast_in_dim3A_39, %get3A_27 : vector<256x784xi1>, vector<256x784xf32>
      %swap3A_41 = arith.constant 0 : index
      %swap3A_42 = arith.constant 0 : index
      %swap3A_43 = vector.load %arg4[%swap3A_41, %swap3A_42] : memref<256x784xf32, #tpu.memory_space<vmem>>, vector<256x784xf32>
      tpu.vector_store %arg4[%swap3A_41, %swap3A_42], %select_n3A_40 {strides = array<i32>} : memref<256x784xf32, #tpu.memory_space<vmem>>, vector<256x784xf32>,
      %eq3A_44 = vector.broadcast %scan3A_22 : i32 to vector<256x32xi32>
      %eq3A_45 = arith.cmpi eq, %iota3A_6, %eq3A_44 : vector<256x32xi32>
      %broadcast_in_dim3A_46 = vector.shape_cast %reduce_max3A_28 : vector<256xf32> to vector<256x1xf32>
      %broadcast_in_dim3A_47 = vector.shape_cast %broadcast_in_dim3A_46 : vector<256x1xf32> to vector<256x1xf32>
      %broadcast_in_dim3A_48 = vector.broadcast %broadcast_in_dim3A_47 : vector<256x1xf32> to vector<256x32xf32>
      %select_n3A_49 = arith.select %eq3A_45, %broadcast_in_dim3A_48, %scan3A_23 : vector<256x32xi1>, vector<256x32xf32>
      %broadcast_in_dim3A_50 = vector.shape_cast %reduce_min3A_34 : vector<256xi32> to vector<256x1xi32>
      %broadcast_in_dim3A_51 = vector.shape_cast %broadcast_in_dim3A_50 : vector<256x1xi32> to vector<256x1xi32>
      %broadcast_in_dim3A_52 = vector.broadcast %broadcast_in_dim3A_51 : vector<256x1xi32> to vector<256x32xi32>
      %select_n3A_53 = arith.select %eq3A_45, %broadcast_in_dim3A_52, %scan3A_24 : vector<256x32xi1>, vector<256x32xi32>
      scf.yield %select_n3A_49, %select_n3A_53 : vector<256x32xf32>, vector<256x32xi32>
    }
    %scan3A_15 = arith.constant 32 : i32
    %swap3A_16 = arith.constant 0 : index
    %swap3A_17 = arith.constant 0 : index
    %swap3A_18 = vector.load %arg2[%swap3A_16, %swap3A_17] : memref<256x32xf32, #tpu.memory_space<vmem>>, vector<256x32xf32>
    tpu.vector_store %arg2[%swap3A_16, %swap3A_17], %scan3A_14#0 {strides = array<i32>} : memref<256x32xf32, #tpu.memory_space<vmem>>, vector<256x32xf32>,
    %swap3A_19 = arith.constant 0 : index
    %swap3A_20 = arith.constant 0 : index
    %swap3A_21 = vector.load %arg3[%swap3A_19, %swap3A_20] : memref<256x32xi32, #tpu.memory_space<vmem>>, vector<256x32xi32>
    tpu.vector_store %arg3[%swap3A_19, %swap3A_20], %scan3A_14#1 {strides = array<i32>} : memref<256x32xi32, #tpu.memory_space<vmem>>, vector<256x32xi32>,
    return
  }
  func.func @transform_0(%arg0: i32) -> (i32, i32) {
    %c0_i32 = arith.constant 0 : i32
    %c0_i32_0 = arith.constant 0 : i32
    return %arg0, %c0_i32 : i32, i32
  }
  func.func @transform_1(%arg0: i32) -> (i32, i32) {
    %c0_i32 = arith.constant 0 : i32
    %c0_i32_0 = arith.constant 0 : i32
    return %arg0, %c0_i32 : i32, i32
  }
  func.func @transform_2(%arg0: i32) -> (i32, i32) {
    %c0_i32 = arith.constant 0 : i32
    %c0_i32_0 = arith.constant 0 : i32
    return %arg0, %c0_i32 : i32, i32
  }
}

module attributes {stable_mosaic.version = 14 : i64} {
  func.func @_c_kernel(%arg0: i32, %arg1: memref<256x32x128xf32, #tpu.memory_space<vmem>>, %arg2: memref<256x32xi32, #tpu.memory_space<vmem>>, %arg3: memref<256x32xf32, #tpu.memory_space<vmem>>, %arg4: memref<256x32xi32, #tpu.memory_space<vmem>>) attributes {dimension_semantics = [#tpu.dimension_semantics<parallel>], iteration_bounds = array<i64: 8>, scalar_prefetch = 0 : i64, scratch_operands = 0 : i64, tpu.core_type = #tpu.core_type<tc>, window_params = [{transform_indices = @transform_0, window_bounds = array<i64: 256, 32, 128>}, {transform_indices = @transform_1, window_bounds = array<i64: 256, 32>}, {transform_indices = @transform_2, window_bounds = array<i64: 256, 32>}, {transform_indices = @transform_3, window_bounds = array<i64: 256, 32>}]} {
    %iota3A = tpu.iota {dimensions = array<i32: 1>} : vector<256x32xi32>
    %iota3A_0 = tpu.iota {dimensions = array<i32: 2>} : vector<256x32x128xi32>
    %get3A = arith.constant 0 : index
    %get3A_1 = arith.constant 0 : index
    %get3A_2 = vector.load %arg2[%get3A, %get3A_1] : memref<256x32xi32, #tpu.memory_space<vmem>>, vector<256x32xi32>
    %broadcast_in_dim3A = vector.shape_cast %get3A_2 : vector<256x32xi32> to vector<256x32x1xi32>
    %mul3A = arith.constant 128 : i32
    %mul3A_3 = vector.broadcast %mul3A : i32 to vector<256x32x1xi32>
    %mul3A_4 = arith.muli %broadcast_in_dim3A, %mul3A_3 : vector<256x32x1xi32>
    %add3A = vector.broadcast %mul3A_4 : vector<256x32x1xi32> to vector<256x32x128xi32>
    %add3A_5 = arith.addi %add3A, %iota3A_0 : vector<256x32x128xi32>
    %reshape3A = vector.shape_cast %add3A_5 : vector<256x32x128xi32> to vector<256x4096xi32>
    %get3A_6 = arith.constant 0 : index
    %get3A_7 = arith.constant 0 : index
    %get3A_8 = arith.constant 0 : index
    %get3A_9 = vector.load %arg1[%get3A_6, %get3A_7, %get3A_8] : memref<256x32x128xf32, #tpu.memory_space<vmem>>, vector<256x32x128xf32>
    %reshape3A_10 = vector.shape_cast %get3A_9 : vector<256x32x128xf32> to vector<256x4096xf32>
    %ge3A = arith.constant 0.000000e+00 : f32
    %ge3A_11 = vector.broadcast %ge3A : f32 to vector<256x4096xf32>
    %ge3A_12 = arith.cmpf oge, %reshape3A_10, %ge3A_11 : vector<256x4096xf32>
    %sqrt3A = math.sqrt %reshape3A_10 : vector<256x4096xf32>
    %jit3A = arith.constant 0xFF800000 : f32
    %broadcast_in_dim3A_13 = vector.broadcast %jit3A : f32 to vector<256x4096xf32>
    %select_n3A = arith.select %ge3A_12, %sqrt3A, %broadcast_in_dim3A_13 : vector<256x4096xi1>, vector<256x4096xf32>
    %broadcast_in_dim3A_14 = arith.constant 0xFF800000 : f32
    %broadcast_in_dim3A_15 = vector.broadcast %broadcast_in_dim3A_14 : f32 to vector<256x32xf32>
    %broadcast_in_dim3A_16 = arith.constant 0 : i32
    %broadcast_in_dim3A_17 = vector.broadcast %broadcast_in_dim3A_16 : i32 to vector<256x32xi32>
    %scan3A = arith.constant 0 : i32
    %scan3A_18 = arith.constant 32 : i32
    %scan3A_19 = arith.addi %scan3A, %scan3A_18 : i32
    %scan3A_20 = arith.constant 1 : i32
    %scan3A_21:3 = scf.for %scan3A_28 = %scan3A to %scan3A_19 step %scan3A_20 iter_args(%scan3A_29 = %select_n3A, %scan3A_30 = %broadcast_in_dim3A_15, %scan3A_31 = %broadcast_in_dim3A_17) -> (vector<256x4096xf32>, vector<256x32xf32>, vector<256x32xi32>)  : i32 {
      %reduce_max3A = arith.constant dense<0xFF800000> : vector<256xf32>
      %reduce_max3A_32 = vector.multi_reduction <maximumf>, %scan3A_29, %reduce_max3A [1] : vector<256x4096xf32> to vector<256xf32>
      %broadcast_in_dim3A_33 = vector.shape_cast %reduce_max3A_32 : vector<256xf32> to vector<256x1xf32>
      %eq3A = vector.broadcast %broadcast_in_dim3A_33 : vector<256x1xf32> to vector<256x4096xf32>
      %eq3A_34 = arith.cmpf oeq, %scan3A_29, %eq3A : vector<256x4096xf32>
      %jit3A_35 = arith.constant 1073741824 : i32
      %broadcast_in_dim3A_36 = vector.broadcast %jit3A_35 : i32 to vector<256x4096xi32>
      %select_n3A_37 = arith.select %eq3A_34, %reshape3A, %broadcast_in_dim3A_36 : vector<256x4096xi1>, vector<256x4096xi32>
      %reduce_min3A = arith.constant dense<2147483647> : vector<256xi32>
      %reduce_min3A_38 = vector.multi_reduction <minsi>, %select_n3A_37, %reduce_min3A [1] : vector<256x4096xi32> to vector<256xi32>
      %broadcast_in_dim3A_39 = vector.shape_cast %reduce_min3A_38 : vector<256xi32> to vector<256x1xi32>
      %eq3A_40 = vector.broadcast %broadcast_in_dim3A_39 : vector<256x1xi32> to vector<256x4096xi32>
      %eq3A_41 = arith.cmpi eq, %reshape3A, %eq3A_40 : vector<256x4096xi32>
      %and3A = arith.andi %eq3A_34, %eq3A_41 : vector<256x4096xi1>
      %jit3A_42 = arith.constant 0xFF800000 : f32
      %broadcast_in_dim3A_43 = vector.broadcast %jit3A_42 : f32 to vector<256x4096xf32>
      %select_n3A_44 = arith.select %and3A, %broadcast_in_dim3A_43, %scan3A_29 : vector<256x4096xi1>, vector<256x4096xf32>
      %eq3A_45 = vector.broadcast %scan3A_28 : i32 to vector<256x32xi32>
      %eq3A_46 = arith.cmpi eq, %iota3A, %eq3A_45 : vector<256x32xi32>
      %broadcast_in_dim3A_47 = vector.shape_cast %reduce_max3A_32 : vector<256xf32> to vector<256x1xf32>
      %broadcast_in_dim3A_48 = vector.shape_cast %broadcast_in_dim3A_47 : vector<256x1xf32> to vector<256x1xf32>
      %broadcast_in_dim3A_49 = vector.broadcast %broadcast_in_dim3A_48 : vector<256x1xf32> to vector<256x32xf32>
      %select_n3A_50 = arith.select %eq3A_46, %broadcast_in_dim3A_49, %scan3A_30 : vector<256x32xi1>, vector<256x32xf32>
      %broadcast_in_dim3A_51 = vector.shape_cast %reduce_min3A_38 : vector<256xi32> to vector<256x1xi32>
      %broadcast_in_dim3A_52 = vector.shape_cast %broadcast_in_dim3A_51 : vector<256x1xi32> to vector<256x1xi32>
      %broadcast_in_dim3A_53 = vector.broadcast %broadcast_in_dim3A_52 : vector<256x1xi32> to vector<256x32xi32>
      %select_n3A_54 = arith.select %eq3A_46, %broadcast_in_dim3A_53, %scan3A_31 : vector<256x32xi1>, vector<256x32xi32>
      scf.yield %select_n3A_44, %select_n3A_50, %select_n3A_54 : vector<256x4096xf32>, vector<256x32xf32>, vector<256x32xi32>
    }
    %scan3A_22 = arith.constant 32 : i32
    %swap3A = arith.constant 0 : index
    %swap3A_23 = arith.constant 0 : index
    %swap3A_24 = vector.load %arg3[%swap3A, %swap3A_23] : memref<256x32xf32, #tpu.memory_space<vmem>>, vector<256x32xf32>
    tpu.vector_store %arg3[%swap3A, %swap3A_23], %scan3A_21#1 {strides = array<i32>} : memref<256x32xf32, #tpu.memory_space<vmem>>, vector<256x32xf32>,
    %swap3A_25 = arith.constant 0 : index
    %swap3A_26 = arith.constant 0 : index
    %swap3A_27 = vector.load %arg4[%swap3A_25, %swap3A_26] : memref<256x32xi32, #tpu.memory_space<vmem>>, vector<256x32xi32>
    tpu.vector_store %arg4[%swap3A_25, %swap3A_26], %scan3A_21#2 {strides = array<i32>} : memref<256x32xi32, #tpu.memory_space<vmem>>, vector<256x32xi32>,
    return
  }
  func.func @transform_0(%arg0: i32) -> (i32, i32, i32) {
    %c0_i32 = arith.constant 0 : i32
    %c0_i32_0 = arith.constant 0 : i32
    %c0_i32_1 = arith.constant 0 : i32
    return %arg0, %c0_i32, %c0_i32_0 : i32, i32, i32
  }
  func.func @transform_1(%arg0: i32) -> (i32, i32) {
    %c0_i32 = arith.constant 0 : i32
    %c0_i32_0 = arith.constant 0 : i32
    return %arg0, %c0_i32 : i32, i32
  }
  func.func @transform_2(%arg0: i32) -> (i32, i32) {
    %c0_i32 = arith.constant 0 : i32
    %c0_i32_0 = arith.constant 0 : i32
    return %arg0, %c0_i32 : i32, i32
  }
  func.func @transform_3(%arg0: i32) -> (i32, i32) {
    %c0_i32 = arith.constant 0 : i32
    %c0_i32_0 = arith.constant 0 : i32
    return %arg0, %c0_i32 : i32, i32
  }
}

</mosaic_0001>

<sc_bundles>
// kernel: kernel.12.cloned.1.call-start
scs
__scs_entry_jumppad:
0x0: {  	(pc) =	sbr.rel $0x88, $3  }
0x1: {  	(tag) =	ssettag $0x0;
	lr =	simm.s32 $0x1  }
0x2: {  	[smem:$0x3F9F] =	sst lr;
	_ =	strace $0xD0000000  }
0x3: {  	_ = 	snop  }
0x4: {  	_ = 	snop  }
0x5: {  	_ = 	snop  }
0x6: {  	_ = 	snop  }
0x7: {  	_ = 	snop  }
__scs_overlays_trampoline_lowered:
0x8: {  	[smem:$0x3FAE] =	sst s0  }
0x9: {  	[smem:$0x3FAF] =	sst s1  }
0xa: {  	[smem:$0x3FB0] =	sst s2  }
0xb: {  	[smem:$0x3FB1] =	sst s3  }
0xc: {  	[smem:$0x3FB2] =	sst s4  }
0xd: {  	[smem:$0x3FB3] =	sst s5  }
0xe: {  	[smem:$0x3FB4] =	sst s6  }
0xf: {  	[smem:$0x3FB5] =	sst s7  }
0x10: {  	[smem:$0x3FB6] =	sst s8  }
0x11: {  	[smem:$0x3FB7] =	sst s9;
	s0 =	simm.s32 @!p0 $0x0  }
0x12: {  	s1 =	sld [smem:$0x3F9D];
	s0 =	simm.s32 @p0 $0x1  }
0x13: {  	[smem:$0x3FB8] =	sst s0;
	s0 =	simm.s32 @!p1 $0x0  }
0x14: {  	s2 =	sld [smem:$0x3F9C];
	s0 =	simm.s32 @p1 $0x1  }
0x15: {  	[smem:$0x3FB9] =	sst s0;
	s0 =	simm.s32 @!p2 $0x0  }
0x16: {  	s3 =	sld [smem:$0x3FDB];
	s0 =	simm.s32 @p2 $0x1  }
0x17: {  	s4 =	simm.s32 $0x1BF5;
	[smem:$0x3FBB] =	sst s0  }
0x18: {  	s0 =	sld [smem:$0x3F9E];
	_ =	swait.ge [sflag:s4], $0x0  }
0x19: {  	s7 =	sld [smem:$0x3F9F]  }
0x1a: {  	s8 =	sadd.s32 $0xFFFFE003, lr  }
0x1b: {  	s9 =	sadd.s32 $0xFFFFFEF7, lr;
	s5 =	simm.s32 $0xFFFFFFFF;
	p2 =	slt.u32 s8, $0xFFFFF086  }
0x1c: {  	p1 =	slt.u32 s9, $0xF7A;
	s5 =	simm.s32 @!p2 $0x0  }
0x1d: {  	s5 =	simm.s32 @p1 $0x1;
	p0 =	seq.s32 s7, s2  }
0x1e: {  	s7 =	smul.u32 @!p0 $0xF7A, s2;
	p2 =	seq.s32 @!p0 s5, $0x0  }
0x1f: {  	s9 =	smul.u32 $0xF7A, s1;
	s8 =	simm.s32 @!p0 $0x1BF5;
	p2 =	por !p2, p0  }
0x20: {  	[sflag:s8] =	ssyncset.s32 @!p0 $0xFFFFF086;
	s6 =	sadd.s32 @!p0 s3, s7;
	s7 =	simm.s32 @!p0 $0x108  }
0x21: {  	s3 =	sadd.s32 s3, s9;
	s6 =	sadd.s32 @!p0 $0x88, s6;
	s7 =	simm.s32 @p2 $0x1082  }
0x22: {  	[simem:s7], [sflag:s8] =	dma.local @!p0 [hbm:s6], $0xF7A  }
0x23: {  	s9 =	sor.u32 $0xD0000000, s2;
	s6 =	simm.s32 $0x108;
	_ =	swait.ge @!p0 [sflag:s8], $0x0  }
0x24: {  	s3 =	sadd.s32 $0x88, s3;
	s6 =	simm.s32 @!p1 $0x1082;
	[sflag:s4] =	ssyncset.s32 $0xFFFFF086  }
0x25: {  	[simem:s6], [sflag:s4] =	dma.local [hbm:s3], $0xF7A  }
0x26: {  	[smem:$0x3F9F] =	sst s1;
	(tag) =	ssettag s2;
	_ =	strace s9  }
0x27: {  	s1 =	sld [smem:$0x3FAF]  }
0x28: {  	s2 =	sld [smem:$0x3FB0]  }
0x29: {  	s4 =	sld [smem:$0x3FB2]  }
0x2a: {  	p0 =	seq.s32 s5, $0x0;
	s5 =	sld [smem:$0x3FB3]  }
0x2b: {  	s6 =	sld [smem:$0x3FB4]  }
0x2c: {  	s7 =	sld [smem:$0x3FB5]  }
0x2d: {  	s3 =	simm.s32 $0x108;
	s8 =	sld [smem:$0x3FB6]  }
0x2e: {  	s3 =	simm.s32 @!p0 $0x1082;
	s9 =	sld [smem:$0x3FB7]  }
0x2f: {  	lr =	sadd.s32 s0, s3;
	s0 =	sld [smem:$0x3FAE]  }
0x30: {  	s3 =	sld [smem:$0x3FB1]  }
0x31: {  	[smem:$0x3FBA] =	sst s10  }
0x32: {  	s10 =	sld [smem:$0x3FB8];
	_ =	sdelay $0x3  }
0x33: {  	p0 =	seq.s32 s10, $0x1;
	s10 =	sld [smem:$0x3FBA];
	_ =	sdelay $0x3  }
0x34: {  	[smem:$0x3FBA] =	sst s10  }
0x35: {  	s10 =	sld [smem:$0x3FB9];
	_ =	sdelay $0x3  }
0x36: {  	p1 =	seq.s32 s10, $0x1;
	s10 =	sld [smem:$0x3FBA];
	_ =	sdelay $0x3  }
0x37: {  	[smem:$0x3FBA] =	sst s10  }
0x38: {  	s10 =	sld [smem:$0x3FBB]  }
0x39: {  	_ = 	snop;
	(pc) =	sbr.ind lr, $3  }
0x3a: {  	_ = 	snop  }
0x3b: {  	_ = 	snop  }
0x3c: {  	p2 =	seq.s32 s10, $0x1;
	s10 =	sld [smem:$0x3FBA]  }
0x3d: {  	_ =	shalt  }
0x3e: {  	_ =	shalt  }
0x3f: {  	_ =	shalt  }
0x40: {  	_ =	shalt  }
0x41: {  	_ =	shalt  }
0x42: {  	_ =	shalt  }
0x43: {  	_ =	shalt  }
0x44: {  	_ =	shalt  }
0x45: {  	_ =	shalt  }
0x46: {  	_ =	shalt  }
0x47: {  	_ =	shalt  }
0x48: {  	_ =	shalt  }
0x49: {  	_ =	shalt  }
0x4a: {  	_ =	shalt  }
0x4b: {  	_ =	shalt  }
0x4c: {  	_ =	shalt  }
0x4d: {  	_ =	shalt  }
0x4e: {  	_ =	shalt  }
0x4f: {  	_ =	shalt  }
0x50: {  	_ =	shalt  }
0x51: {  	_ =	shalt  }
0x52: {  	_ =	shalt  }
0x53: {  	_ =	shalt  }
0x54: {  	_ =	shalt  }
0x55: {  	_ =	shalt  }
0x56: {  	_ =	shalt  }
0x57: {  	_ =	shalt  }
0x58: {  	_ =	shalt  }
0x59: {  	_ =	shalt  }
0x5a: {  	_ =	shalt  }
0x5b: {  	_ =	shalt  }
0x5c: {  	_ =	shalt  }
0x5d: {  	_ =	shalt  }
0x5e: {  	_ =	shalt  }
0x5f: {  	_ =	shalt  }
0x60: {  	_ =	shalt  }
0x61: {  	_ =	shalt  }
0x62: {  	_ =	shalt  }
0x63: {  	_ =	shalt  }
0x64: {  	_ =	shalt  }
0x65: {  	_ =	shalt  }
0x66: {  	_ =	shalt  }
0x67: {  	_ =	shalt  }
0x68: {  	_ =	shalt  }
0x69: {  	_ =	shalt  }
0x6a: {  	_ =	shalt  }
0x6b: {  	_ =	shalt  }
0x6c: {  	_ =	shalt  }
0x6d: {  	_ =	shalt  }
0x6e: {  	_ =	shalt  }
0x6f: {  	_ =	shalt  }
0x70: {  	_ =	shalt  }
0x71: {  	_ =	shalt  }
0x72: {  	_ =	shalt  }
0x73: {  	_ =	shalt  }
0x74: {  	_ =	shalt  }
0x75: {  	_ =	shalt  }
0x76: {  	_ =	shalt  }
0x77: {  	_ =	shalt  }
0x78: {  	_ =	shalt  }
0x79: {  	_ =	shalt  }
0x7a: {  	_ =	shalt  }
0x7b: {  	_ =	shalt  }
0x7c: {  	_ =	shalt  }
0x7d: {  	_ =	shalt  }
0x7e: {  	_ =	shalt  }
0x7f: {  	_ =	shalt  }
0x80: {  	_ =	shalt  }
0x81: {  	_ =	shalt  }
0x82: {  	_ =	shalt  }
0x83: {  	_ =	shalt  }
0x84: {  	_ =	shalt  }
0x85: {  	_ =	shalt  }
0x86: {  	_ =	shalt  }
0x87: {  	_ =	shalt  }
.Lfunc_end0:
.L_simem_size_0:
called_computation.1_lowered:
.L_overlay_start_0:
0x88: {  	s2 =	sld [smem:$0x3FD9]  }
0x89: {  	s3 =	sld [smem:$0x3FFE];
	_ =	sdelay $0x1  }
0x8a: {  	s1 =	srdreg.scid  }
0x8b: {  	s0 =	sand.u32 $0x1, s1  }
0x8c: {  	s16 =	sshll.u32 s0, $0xA;
	s2 =	sadd.s32 s3, s2  }
0x8d: {  	s2 =	sadd.s32 s2, s16  }
0x8e: {  	[smem:$0x3FC6] =	sst s2  }
0x8f: {  	_ = 	snop  }
0x90: {  	(tm) =	ssettm $0x1  }
0x91: {  	s17 =	sld [smem:$0x3FFB];
	_ =	sdelay $0x3  }
0x92: {  	_ =	strace s17  }
0x93: {  	s2 =	sld [smem:$0x3FFC];
	_ =	sdelay $0x3  }
0x94: {  	_ =	strace s2  }
0x95: {  	s2 =	sld [smem:$0x3FFD];
	_ =	sdelay $0x3  }
0x96: {  	_ =	strace s2  }
0x97: {  	_ =	strace $0x8FFFFFFF  }
0x98: {  	s18 =	sld [smem:$0x3FDB];
	_ =	sdelay $0x1  }
0x99: {  	s19 =	simm.s32 $_scs_section_size  }
0x9a: {  	s4 =	simm.s32 $_size__tile_overlayer_lowered;
	s5 =	simm.s32 $_tile_overlayer_lowered  }
0x9b: {  	s22 =	simm.s32 $0x1BFF;
	s21 =	sshll.u32 s5, $0x1;
	s2 =	sadd.s32 s19, s18  }
0x9c: {  	s6 =	simm.s32 $0x0;
	s20 =	sshll.u32 s4, $0x1;
	s4 =	sadd.s32 s21, s2  }
0x9d: {  	[timem:s6], [sflag:s22] =	dma.local [hbm:s4], s20  }
0x9e: {  	_ =	swait.ge [sflag:s22], s20  }
0x9f: {  	s3 =	ssub.s32 $0x0, s20;
	[sflag:s22] =	ssyncset.done $0x0  }
0xa0: {  	[sflag:s22] =	ssyncadd.s32 s3;
	_ =	sdelay $0x1  }
0xa1: {  	s23 =	simm.s32 $0x1B8B  }
0xa2: {  	_ =	swait.ge [sflag:s23], $0x1  }
0xa3: {  	[sflag:s23] =	ssyncset.done $0x0  }
0xa4: {  	s25 =	simm.s32 $0x1B8E;
	s24 =	sld [smem:$0x3FFE];
	[sflag:s23] =	ssyncadd.s32 $0xFFFFFFFF  }
0xa5: {  	s26 =	simm.s32 $execute0_lowered;
	[smem:$0x3FD2] =	sst s25  }
0xa6: {  	s4 =	sshll.u32 s26, $0x1;
	_ =	strace $0x80000046;
	[dreg:$0x1] =	wrdreg $0xFFFFFFFF  }
0xa7: {  	s28 =	simm.s32 $_size_execute0_lowered;
	s2 =	sadd.s32 s2, s4;
	[dreg:$0x0] =	wrdreg $0x0  }
0xa8: {  	s4 =	sshll.u32 s28, $0x1;
	[dreg:$0x2] =	wrdreg s2  }
0xa9: {  	[dreg:$0x3] =	wrdreg s4  }
0xaa: {  	[dreg:$0x4] =	wrdreg $0xC0  }
0xab: {  	_ =	task [dreg:s6], $0x5FFFF  }
0xac: {  	[dreg:$0x1] =	wrdreg $0xFFFFFFFF  }
0xad: {  	[dreg:$0x0] =	wrdreg $0x60  }
0xae: {  	[dreg:$0x2] =	wrdreg s24  }
0xaf: {  	[dreg:$0x3] =	wrdreg $0xA  }
0xb0: {  	_ =	task.clear_ibuf [dreg:s6], $0x4FFFF;
	_ =	strace $0x90000046  }
0xb1: {  	s29 =	simm.s32 $0xA;
	_ =	strace $0x80000048  }
0xb2: {  	_ =	swait.ge [sflag:s29], $0x1  }
0xb3: {  	[sflag:s29] =	ssyncadd.s32 $0xFFFFFFFF  }
0xb4: {  	_ =	strace $0x90000048  }
0xb5: {  	_ =	sfence  }
0xb6: {  	s30 =	sld [smem:$0x0];
	_ =	sdelay $0x2  }
0xb7: {  	s31 =	sshll.u32 s1, $0xD;
	s1 =	sshrl.u32 s1, $0x2  }
0xb8: {  	s3 =	sand.u32 $0x4000, s31;
	s1 =	sadd.s32 s1, s30  }
0xb9: {  	s0 =	sor.u32 s3, s0;
	s1 =	sshll.u32 s1, $0x11  }
0xba: {  	s0 =	sor.u32 s1, s0  }
0xbb: {  	s0 =	sadd.s32 $0x8F2B, s0  }
0xbc: {  	[sflag:s0] =	ssyncadd.remote.s32 $0x1  }
0xbd: {  	_ =	sfence.sel $0xFFFF  }
0xbe: {  	[dreg:$0x0] =	wrdreg $0xFFFFFFFF;
	(pc) =	sbr.abs _section_cstart, $3  }
0xbf: {  	[dreg:$0x1] =	wrdreg $0xFFFFFFFF  }
0xc0: {  	_ =	task.clear_ibuf [dreg:s6], $0x2FFFF;
	_ =	strace $0x9FFFFFFF  }
0xc1: {  	(tm) =	ssettm $0x7FFFFFFF  }
tec
execute0_lowered:
.L_overlay_start_1:
0x0: {  	(tag) =	ssettag $0x1  }
0x1: {  	s4 =	rddreg [dreg:$0x0]  }
0x2: {  	s0 =	rddreg [dreg:$0x1]  }
0x3: {  	s2 =	simm.s32 $0x0;
	s3 =	srdreg.scid;
	s1 =	stileid.u32  }
0x4: {  	s11 =	simm.s32 $0x80;
	s12 =	simm.s32 $0x100;
	s13 =	simm.s32 $0x1  }
0x5: {  	s14 =	simm.s32 $0x0;
	[smem:$0x7FF] =	sst s2;
	s6 =	sand.u32 $0x1, s3  }
0x6: {  	s3 =	sadd.s32 $0x499C00, s4;
	s5 =	sshll.u32 s1, $0x10;
	s9 =	smul.u32 $0x18800, s1  }
0x7: {  	s30 =	sshll.u32 s1, $0xB;
	_ =	strace $0x80000047;
	s7 =	ssub.s32 $0x2, s6  }
0x8: {  	s8 =	sadd.s32 s5, s4;
	s28 =	sshll.u32 s6, $0xF;
	s10 =	smul.u32 $0xC400, s6  }
0x9: {  	s4 =	sadd.s32 $0x1C00, s4;
	s31 =	sshll.u32 s6, $0xA;
	s26 =	sshrl.u32 s7, $0x1  }
0xa: {  	s5 =	ssub.s32 s7, s26;
	s7 =	sadd.s32 s28, s8;
	s29 =	sadd.s32 s10, s9  }
0xb: {  	s8 =	sor.u32 s31, s30;
	s9 =	simm.s32 $0x2;
	s10 =	simm.s32 $0x20  }
0xc: {  	s5 =	smax.u32 s5, $0x1;
	s6 =	sadd.s32 $0x9C00, s7;
	s7 =	sadd.s32 $0x188000, s29  }
.LBB2_1:
0xd: {  	s15 =	sadd.s32 $0x0, s8;
	s16 =	sand.u32 $0x70, s2  }
0xe: {  	s15 =	sand.u32 $0x7F80, s15;
	s16 =	sadd.s32 s4, s16  }
0xf: {  	s15 =	sadd.s32 s15, s16  }
0x10: {  	[tilespmem:s2], [sflag:$0x2] =	stream.linear.gather [hbm4b:s15+s2], $0x80, $0x38;
	[tilespmem:$0x1100] =	vst v63  }
0x11: {  	_ =	swait.ge [sflag:s9], $0x80  }
0x12: {  	[sflag:s9] =	ssyncset.done $0x0  }
0x13: {  	[sflag:s9] =	ssyncadd.s32 $0xFFFFFF80  }
0x14: {  	v0 =	vld [tilespmem:$0x0]  }
0x15: {  	v1 =	vld [tilespmem:$0x10];
	_ =	sdelay $0x3  }
0x16: {  	v0 =	vadd.s32 s7, v0  }
0x17: {  	v63 =	vadd.s32 s7, v1;
	[tilespmem:$0x80] =	vst v0  }
0x18: {  	[tilespmem:$0x90] =	vst v63  }
0x19: {  	[tilespmem:s12], [sflag:$0x1] =	stream.indirect.gather [hbm4b:s3+s10], $0x80, s11, s10, $0xb8;
	[tilespmem:$0x1100] =	vst v63  }
0x1a: {  	_ =	swait.ge [sflag:s13], $0x1000  }
0x1b: {  	s19 =	simm.s32 $0x10;
	s17 =	simm.s32 $0x20;
	[sflag:s13] =	ssyncset.done $0x0  }
0x1c: {  	s18 =	sadd.s32 $0x10, s8;
	s19 =	sand.u32 $0x70, s19;
	[sflag:s13] =	ssyncadd.s32 $0xFFFFF000  }
0x1d: {  	[hbm4b:s6+s2] =	stream.linear.scatter [tilespmem:s12], [sflag:$0x2], $0x1000, $0x38;
	[tilespmem:$0x1100] =	vst v63  }
0x1e: {  	s16 =	sadd.s32 $0x310, s7;
	s15 =	sadd.s32 $0x200, s6;
	_ =	swait.ge [sflag:s9], $0x1000  }
.LBB2_2:
0x1f: {  	s18 =	sand.u32 $0x7F80, s18;
	s19 =	sadd.s32 s4, s19  }
0x20: {  	[sflag:s9] =	ssyncset.done $0x0;
	s20 =	smov.u32 s17;
	s21 =	smov.u32 s15  }
0x21: {  	s22 =	sadd.s32 $0x10, s17;
	s18 =	sadd.s32 s18, s19;
	[sflag:s9] =	ssyncadd.s32 $0xFFFFF000  }
0x22: {  	[tilespmem:s2], [sflag:$0x2] =	stream.linear.gather [hbm4b:s18+s2], $0x80, $0x38;
	[tilespmem:$0x1100] =	vst v63  }
0x23: {  	p0 =	sne.s32 s17, $0x3F0;
	_ =	swait.ge [sflag:s9], $0x80  }
0x24: {  	[sflag:s9] =	ssyncset.done $0x0  }
0x25: {  	[sflag:s9] =	ssyncadd.s32 $0xFFFFFF80  }
0x26: {  	v0 =	vld [tilespmem:$0x0]  }
0x27: {  	v1 =	vld [tilespmem:$0x10];
	_ =	sdelay $0x3  }
0x28: {  	v0 =	vadd.s32 s16, v0  }
0x29: {  	[tilespmem:$0x80] =	vst v0;
	v0 =	vadd.s32 s16, v1  }
0x2a: {  	[tilespmem:$0x90] =	vst v0  }
0x2b: {  	[tilespmem:s12], [sflag:$0x1] =	stream.indirect.gather [hbm4b:s3+s10], $0x80, s11, s10, $0xb8;
	[tilespmem:$0x1100] =	vst v63  }
.Ltmp0:
0x2c: {  	_ =	swait.ge [sflag:s13], $0x1000;
	(pc) =	sbr.rel @p0 .LBB2_2-.Ltmp0, $4  }
0x2d: {  	s15 =	sadd.s32 $0x200, s15;
	[sflag:s13] =	ssyncset.done $0x0  }
0x2e: {  	s19 =	sand.u32 $0x70, s20;
	s16 =	sadd.s32 $0x310, s16;
	[sflag:s13] =	ssyncadd.s32 $0xFFFFF000  }
0x2f: {  	[hbm4b:s21+s2] =	stream.linear.scatter [tilespmem:s12], [sflag:$0x2], $0x1000, $0x38;
	[tilespmem:$0x1100] =	vst v63  }
0x30: {  	s17 =	smov.u32 s22;
	s18 =	sadd.s32 s20, s8;
	_ =	swait.ge [sflag:s9], $0x1000  }
0x31: {  	s17 =	sand.u32 $0x7F80, s18;
	s31 =	sadd.s32 s4, s19;
	[sflag:s9] =	ssyncset.done $0x0  }
0x32: {  	s17 =	sadd.s32 s17, s31;
	[sflag:s9] =	ssyncadd.s32 $0xFFFFF000  }
0x33: {  	[tilespmem:s2], [sflag:$0x2] =	stream.linear.gather [hbm4b:s17+s2], $0x80, $0x38;
	[tilespmem:$0x1100] =	vst v63  }
0x34: {  	_ =	swait.ge [sflag:s9], $0x80  }
0x35: {  	[sflag:s9] =	ssyncset.done $0x0  }
0x36: {  	[sflag:s9] =	ssyncadd.s32 $0xFFFFFF80  }
0x37: {  	v0 =	vld [tilespmem:$0x0]  }
0x38: {  	v1 =	vld [tilespmem:$0x10];
	_ =	sdelay $0x3  }
0x39: {  	v0 =	vadd.s32 s16, v0  }
0x3a: {  	v63 =	vadd.s32 s16, v1;
	[tilespmem:$0x80] =	vst v0  }
0x3b: {  	[tilespmem:$0x90] =	vst v63  }
0x3c: {  	[tilespmem:s12], [sflag:$0x1] =	stream.indirect.gather [hbm4b:s3+s10], $0x80, s11, s10, $0xb8;
	[tilespmem:$0x1100] =	vst v63  }
0x3d: {  	s14 =	sadd.s32 $0x1, s14;
	_ =	swait.ge [sflag:s13], $0x1000  }
0x3e: {  	p0 =	sne.s32 s14, s5;
	[sflag:s13] =	ssyncset.done $0x0  }
.Ltmp1:
0x3f: {  	[sflag:s13] =	ssyncadd.s32 $0xFFFFF000;
	(pc) =	sbr.rel @p0 .LBB2_1-.Ltmp1, $4  }
0x40: {  	[hbm4b:s15+s2] =	stream.linear.scatter [tilespmem:s12], [sflag:$0x2], $0x1000, $0x38;
	[tilespmem:$0x1100] =	vst v63  }
0x41: {  	_ =	swait.ge [sflag:s9], $0x1000  }
0x42: {  	[sflag:s9] =	ssyncset.done $0x0  }
0x43: {  	[sflag:s9] =	ssyncadd.s32 $0xFFFFF000  }
0x44: {  	_ =	sfence.sel $0x180000  }
0x45: {  	[bflag:$0x0] =	sbarrier.arrive $0xFFFF  }
0x46: {  	p0 =	sne.s32 s1, $0x0;
	_ =	strace $0x90000047  }
0x47: {  	s0 =	sadd.s32 @!p0 $0x100000, s0;
	[bflag:$0x2] =	sbarrier.arrive $0xFFFF  }
0x48: {  	[sflag:s0] =	ssyncadd.tile.s32 @!p0 $0x1;
	_ =	shalt  }
.Lfunc_end2:
_tile_overlayer_lowered:
.L_overlay_start_2:
0x49: {  	(tag) =	ssettag $0x2  }
0x4a: {  	s0 =	rddreg [dreg:$0x0];
	s2 =	stileid.u32  }
0x4b: {  	s1 =	rddreg [dreg:$0x1];
	p0 =	sne.s32 s2, $0x0  }
0x4c: {  	s3 =	rddreg [dreg:$0x2];
	[bflag:$0x3] =	sbarrier.arrive $0xFFFF;
	s2 =	simm.s32 @!p0 $0x1C02  }
0x4d: {  	[timem:s3], [sflag:s2] =	dma.local @!p0 [hbm:s0], s1  }
0x4e: {  	s0 =	simm.s32 @!p0 $0x2  }
0x4f: {  	_ =	swait.ge @!p0 [sflag:s0], s1  }
0x50: {  	s1 =	ssub.s32 @!p0 $0x0, s1;
	[sflag:s0] =	ssyncset.done @!p0 $0x0  }
0x51: {  	[sflag:s0] =	ssyncadd.s32 @!p0 s1  }
0x52: {  	[bflag:$0x3] =	sbarrier.arrive $0xFFFF  }
0x53: {  	_ =	shalt  }

// kernel: kernel.9.cloned.1.call-start
scs
__scs_entry_jumppad:
0x0: {  	(pc) =	sbr.rel $0x88, $3  }
0x1: {  	(tag) =	ssettag $0x0;
	lr =	simm.s32 $0x1  }
0x2: {  	[smem:$0x3F9F] =	sst lr;
	_ =	strace $0xD0000000  }
0x3: {  	_ = 	snop  }
0x4: {  	_ = 	snop  }
0x5: {  	_ = 	snop  }
0x6: {  	_ = 	snop  }
0x7: {  	_ = 	snop  }
__scs_overlays_trampoline_lowered:
0x8: {  	[smem:$0x3FAE] =	sst s0  }
0x9: {  	[smem:$0x3FAF] =	sst s1  }
0xa: {  	[smem:$0x3FB0] =	sst s2  }
0xb: {  	[smem:$0x3FB1] =	sst s3  }
0xc: {  	[smem:$0x3FB2] =	sst s4  }
0xd: {  	[smem:$0x3FB3] =	sst s5  }
0xe: {  	[smem:$0x3FB4] =	sst s6  }
0xf: {  	[smem:$0x3FB5] =	sst s7  }
0x10: {  	[smem:$0x3FB6] =	sst s8  }
0x11: {  	[smem:$0x3FB7] =	sst s9;
	s0 =	simm.s32 @!p0 $0x0  }
0x12: {  	s1 =	sld [smem:$0x3F9D];
	s0 =	simm.s32 @p0 $0x1  }
0x13: {  	[smem:$0x3FB8] =	sst s0;
	s0 =	simm.s32 @!p1 $0x0  }
0x14: {  	s2 =	sld [smem:$0x3F9C];
	s0 =	simm.s32 @p1 $0x1  }
0x15: {  	[smem:$0x3FB9] =	sst s0;
	s0 =	simm.s32 @!p2 $0x0  }
0x16: {  	s3 =	sld [smem:$0x3FDB];
	s0 =	simm.s32 @p2 $0x1  }
0x17: {  	s4 =	simm.s32 $0x1BF5;
	[smem:$0x3FBB] =	sst s0  }
0x18: {  	s0 =	sld [smem:$0x3F9E];
	_ =	swait.ge [sflag:s4], $0x0  }
0x19: {  	s7 =	sld [smem:$0x3F9F]  }
0x1a: {  	s8 =	sadd.s32 $0xFFFFE003, lr  }
0x1b: {  	s9 =	sadd.s32 $0xFFFFFEF7, lr;
	s5 =	simm.s32 $0xFFFFFFFF;
	p2 =	slt.u32 s8, $0xFFFFF086  }
0x1c: {  	p1 =	slt.u32 s9, $0xF7A;
	s5 =	simm.s32 @!p2 $0x0  }
0x1d: {  	s5 =	simm.s32 @p1 $0x1;
	p0 =	seq.s32 s7, s2  }
0x1e: {  	s7 =	smul.u32 @!p0 $0xF7A, s2;
	p2 =	seq.s32 @!p0 s5, $0x0  }
0x1f: {  	s9 =	smul.u32 $0xF7A, s1;
	s8 =	simm.s32 @!p0 $0x1BF5;
	p2 =	por !p2, p0  }
0x20: {  	[sflag:s8] =	ssyncset.s32 @!p0 $0xFFFFF086;
	s6 =	sadd.s32 @!p0 s3, s7;
	s7 =	simm.s32 @!p0 $0x108  }
0x21: {  	s3 =	sadd.s32 s3, s9;
	s6 =	sadd.s32 @!p0 $0x88, s6;
	s7 =	simm.s32 @p2 $0x1082  }
0x22: {  	[simem:s7], [sflag:s8] =	dma.local @!p0 [hbm:s6], $0xF7A  }
0x23: {  	s9 =	sor.u32 $0xD0000000, s2;
	s6 =	simm.s32 $0x108;
	_ =	swait.ge @!p0 [sflag:s8], $0x0  }
0x24: {  	s3 =	sadd.s32 $0x88, s3;
	s6 =	simm.s32 @!p1 $0x1082;
	[sflag:s4] =	ssyncset.s32 $0xFFFFF086  }
0x25: {  	[simem:s6], [sflag:s4] =	dma.local [hbm:s3], $0xF7A  }
0x26: {  	[smem:$0x3F9F] =	sst s1;
	(tag) =	ssettag s2;
	_ =	strace s9  }
0x27: {  	s1 =	sld [smem:$0x3FAF]  }
0x28: {  	s2 =	sld [smem:$0x3FB0]  }
0x29: {  	s4 =	sld [smem:$0x3FB2]  }
0x2a: {  	p0 =	seq.s32 s5, $0x0;
	s5 =	sld [smem:$0x3FB3]  }
0x2b: {  	s6 =	sld [smem:$0x3FB4]  }
0x2c: {  	s7 =	sld [smem:$0x3FB5]  }
0x2d: {  	s3 =	simm.s32 $0x108;
	s8 =	sld [smem:$0x3FB6]  }
0x2e: {  	s3 =	simm.s32 @!p0 $0x1082;
	s9 =	sld [smem:$0x3FB7]  }
0x2f: {  	lr =	sadd.s32 s0, s3;
	s0 =	sld [smem:$0x3FAE]  }
0x30: {  	s3 =	sld [smem:$0x3FB1]  }
0x31: {  	[smem:$0x3FBA] =	sst s10  }
0x32: {  	s10 =	sld [smem:$0x3FB8];
	_ =	sdelay $0x3  }
0x33: {  	p0 =	seq.s32 s10, $0x1;
	s10 =	sld [smem:$0x3FBA];
	_ =	sdelay $0x3  }
0x34: {  	[smem:$0x3FBA] =	sst s10  }
0x35: {  	s10 =	sld [smem:$0x3FB9];
	_ =	sdelay $0x3  }
0x36: {  	p1 =	seq.s32 s10, $0x1;
	s10 =	sld [smem:$0x3FBA];
	_ =	sdelay $0x3  }
0x37: {  	[smem:$0x3FBA] =	sst s10  }
0x38: {  	s10 =	sld [smem:$0x3FBB]  }
0x39: {  	_ = 	snop;
	(pc) =	sbr.ind lr, $3  }
0x3a: {  	_ = 	snop  }
0x3b: {  	_ = 	snop  }
0x3c: {  	p2 =	seq.s32 s10, $0x1;
	s10 =	sld [smem:$0x3FBA]  }
0x3d: {  	_ =	shalt  }
0x3e: {  	_ =	shalt  }
0x3f: {  	_ =	shalt  }
0x40: {  	_ =	shalt  }
0x41: {  	_ =	shalt  }
0x42: {  	_ =	shalt  }
0x43: {  	_ =	shalt  }
0x44: {  	_ =	shalt  }
0x45: {  	_ =	shalt  }
0x46: {  	_ =	shalt  }
0x47: {  	_ =	shalt  }
0x48: {  	_ =	shalt  }
0x49: {  	_ =	shalt  }
0x4a: {  	_ =	shalt  }
0x4b: {  	_ =	shalt  }
0x4c: {  	_ =	shalt  }
0x4d: {  	_ =	shalt  }
0x4e: {  	_ =	shalt  }
0x4f: {  	_ =	shalt  }
0x50: {  	_ =	shalt  }
0x51: {  	_ =	shalt  }
0x52: {  	_ =	shalt  }
0x53: {  	_ =	shalt  }
0x54: {  	_ =	shalt  }
0x55: {  	_ =	shalt  }
0x56: {  	_ =	shalt  }
0x57: {  	_ =	shalt  }
0x58: {  	_ =	shalt  }
0x59: {  	_ =	shalt  }
0x5a: {  	_ =	shalt  }
0x5b: {  	_ =	shalt  }
0x5c: {  	_ =	shalt  }
0x5d: {  	_ =	shalt  }
0x5e: {  	_ =	shalt  }
0x5f: {  	_ =	shalt  }
0x60: {  	_ =	shalt  }
0x61: {  	_ =	shalt  }
0x62: {  	_ =	shalt  }
0x63: {  	_ =	shalt  }
0x64: {  	_ =	shalt  }
0x65: {  	_ =	shalt  }
0x66: {  	_ =	shalt  }
0x67: {  	_ =	shalt  }
0x68: {  	_ =	shalt  }
0x69: {  	_ =	shalt  }
0x6a: {  	_ =	shalt  }
0x6b: {  	_ =	shalt  }
0x6c: {  	_ =	shalt  }
0x6d: {  	_ =	shalt  }
0x6e: {  	_ =	shalt  }
0x6f: {  	_ =	shalt  }
0x70: {  	_ =	shalt  }
0x71: {  	_ =	shalt  }
0x72: {  	_ =	shalt  }
0x73: {  	_ =	shalt  }
0x74: {  	_ =	shalt  }
0x75: {  	_ =	shalt  }
0x76: {  	_ =	shalt  }
0x77: {  	_ =	shalt  }
0x78: {  	_ =	shalt  }
0x79: {  	_ =	shalt  }
0x7a: {  	_ =	shalt  }
0x7b: {  	_ =	shalt  }
0x7c: {  	_ =	shalt  }
0x7d: {  	_ =	shalt  }
0x7e: {  	_ =	shalt  }
0x7f: {  	_ =	shalt  }
0x80: {  	_ =	shalt  }
0x81: {  	_ =	shalt  }
0x82: {  	_ =	shalt  }
0x83: {  	_ =	shalt  }
0x84: {  	_ =	shalt  }
0x85: {  	_ =	shalt  }
0x86: {  	_ =	shalt  }
0x87: {  	_ =	shalt  }
.Lfunc_end0:
.L_simem_size_0:
called_computation_lowered:
.L_overlay_start_0:
0x88: {  	s2 =	sld [smem:$0x3FD9]  }
0x89: {  	s3 =	sld [smem:$0x3FFE];
	_ =	sdelay $0x1  }
0x8a: {  	s1 =	srdreg.scid  }
0x8b: {  	s0 =	sand.u32 $0x1, s1  }
0x8c: {  	s17 =	sshll.u32 s0, $0xA;
	s2 =	sadd.s32 s3, s2  }
0x8d: {  	s2 =	sadd.s32 s2, s17  }
0x8e: {  	[smem:$0x3FC6] =	sst s2  }
0x8f: {  	_ = 	snop  }
0x90: {  	(tm) =	ssettm $0x1  }
0x91: {  	s18 =	sld [smem:$0x3FFB];
	_ =	sdelay $0x3  }
0x92: {  	_ =	strace s18  }
0x93: {  	s2 =	sld [smem:$0x3FFC];
	_ =	sdelay $0x3  }
0x94: {  	_ =	strace s2  }
0x95: {  	s2 =	sld [smem:$0x3FFD];
	_ =	sdelay $0x3  }
0x96: {  	_ =	strace s2  }
0x97: {  	_ =	strace $0x8FFFFFFF  }
0x98: {  	s19 =	sld [smem:$0x3FDB];
	_ =	sdelay $0x1  }
0x99: {  	s20 =	simm.s32 $_scs_section_size  }
0x9a: {  	s4 =	simm.s32 $_size__tile_overlayer_lowered;
	s5 =	simm.s32 $_tile_overlayer_lowered  }
0x9b: {  	s6 =	simm.s32 $0x1BFF;
	s21 =	sshll.u32 s5, $0x1;
	s3 =	sadd.s32 s20, s19  }
0x9c: {  	s22 =	simm.s32 $0x0;
	s4 =	sshll.u32 s4, $0x1;
	s5 =	sadd.s32 s21, s3  }
0x9d: {  	[timem:s22], [sflag:s6] =	dma.local [hbm:s5], s4  }
0x9e: {  	_ =	swait.ge [sflag:s6], s4  }
0x9f: {  	s4 =	ssub.s32 $0x0, s4;
	[sflag:s6] =	ssyncset.done $0x0  }
0xa0: {  	[sflag:s6] =	ssyncadd.s32 s4;
	_ =	sdelay $0x1  }
0xa1: {  	s23 =	simm.s32 $0x1B8B  }
0xa2: {  	_ =	swait.ge [sflag:s23], $0x1  }
0xa3: {  	[sflag:s23] =	ssyncset.done $0x0  }
0xa4: {  	[sflag:s23] =	ssyncadd.s32 $0xFFFFFFFF  }
0xa5: {  	s4 =	sld [smem:$0x0]  }
0xa6: {  	s5 =	sand.u32 $0xFFFFFFFE, s1  }
0xa7: {  	p0 =	sne.s32 s1, s5  }
0xa8: {  	s5 =	sshll.u32 @p0 s5, $0xE  }
0xa9: {  	s5 =	sadd.s32 @p0 $0x11B8D, s5;
	s6 =	sshll.u32 @p0 s4, $0x11  }
0xaa: {  	s5 =	sor.u32 @p0 s6, s5  }
0xab: {  	[sflag:s5] =	ssyncadd.remote.s32 @p0 $0x1;
	_ =	sdelay $0x1  }
0xac: {  	s5 =	simm.s32 @p0 $0x1B8D  }
0xad: {  	_ =	swait.eq @p0 [sflag:s5], $0x1  }
0xae: {  	[sflag:s5] =	ssyncadd.s32 @p0 $0xFFFFFFFF  }
0xaf: {  	s6 =	sshll.u32 @!p0 s1, $0xE  }
0xb0: {  	s6 =	sor.u32 @!p0 $0x4000, s6;
	s5 =	simm.s32 @!p0 $0x1B8D  }
0xb1: {  	s4 =	sshll.u32 @!p0 s4, $0x11;
	s6 =	sadd.s32 @!p0 $0x11B8D, s6;
	_ =	swait.eq @!p0 [sflag:s5], $0x1  }
0xb2: {  	s4 =	sor.u32 @!p0 s4, s6;
	[sflag:s5] =	ssyncadd.s32 @!p0 $0xFFFFFFFF  }
0xb3: {  	s25 =	simm.s32 $0x1B8E;
	s24 =	sld [smem:$0x3FFE];
	[sflag:s4] =	ssyncadd.remote.s32 @!p0 $0x1  }
0xb4: {  	s26 =	simm.s32 $execute0_lowered;
	[smem:$0x3FD2] =	sst s25  }
0xb5: {  	s5 =	sshll.u32 s26, $0x1;
	_ =	strace $0x80000049;
	[dreg:$0x1] =	wrdreg $0xFFFFFFFF  }
0xb6: {  	s28 =	simm.s32 $_size_execute0_lowered;
	s3 =	sadd.s32 s3, s5;
	[dreg:$0x0] =	wrdreg $0x0  }
0xb7: {  	s5 =	sshll.u32 s28, $0x1;
	[dreg:$0x2] =	wrdreg s3  }
0xb8: {  	[dreg:$0x3] =	wrdreg s5  }
0xb9: {  	[dreg:$0x4] =	wrdreg $0xC0  }
0xba: {  	_ =	task [dreg:s22], $0x5FFFF  }
0xbb: {  	[dreg:$0x1] =	wrdreg $0xFFFFFFFF  }
0xbc: {  	[dreg:$0x0] =	wrdreg $0x60  }
0xbd: {  	[dreg:$0x2] =	wrdreg s24  }
0xbe: {  	[dreg:$0x3] =	wrdreg $0x9  }
0xbf: {  	_ =	task.clear_ibuf [dreg:s22], $0x4FFFF;
	_ =	strace $0x90000049  }
0xc0: {  	s29 =	simm.s32 $0x9;
	_ =	strace $0x8000004B  }
0xc1: {  	_ =	swait.ge [sflag:s29], $0x1  }
0xc2: {  	[sflag:s29] =	ssyncadd.s32 $0xFFFFFFFF  }
0xc3: {  	_ =	strace $0x9000004B  }
0xc4: {  	_ =	sfence  }
0xc5: {  	s30 =	sld [smem:$0x0];
	_ =	sdelay $0x2  }
0xc6: {  	s31 =	sshll.u32 s1, $0xD;
	s1 =	sshrl.u32 s1, $0x2  }
0xc7: {  	s4 =	sand.u32 $0x4000, s31;
	s1 =	sadd.s32 s1, s30  }
0xc8: {  	s0 =	sor.u32 s4, s0;
	s1 =	sshll.u32 s1, $0x11  }
0xc9: {  	s0 =	sor.u32 s1, s0  }
0xca: {  	s0 =	sadd.s32 $0x8F2B, s0  }
0xcb: {  	[sflag:s0] =	ssyncadd.remote.s32 $0x1  }
0xcc: {  	_ =	sfence.sel $0xFFFF  }
0xcd: {  	[dreg:$0x0] =	wrdreg $0xFFFFFFFF;
	(pc) =	sbr.abs _section_cstart, $3  }
0xce: {  	[dreg:$0x1] =	wrdreg $0xFFFFFFFF  }
0xcf: {  	_ =	task.clear_ibuf [dreg:s22], $0x2FFFF;
	_ =	strace $0x9FFFFFFF  }
0xd0: {  	(tm) =	ssettm $0x7FFFFFFF  }
0xd1: {  	_ =	shalt  }
tec
execute0_lowered:
.L_overlay_start_1:
0x0: {  	(tag) =	ssettag $0x1  }
0x1: {  	s5 =	rddreg [dreg:$0x0]  }
0x2: {  	s0 =	rddreg [dreg:$0x1];
	s1 =	simm.s32 $0x0;
	s2 =	srdreg.scid  }
0x3: {  	s12 =	simm.s32 $0x100;
	s13 =	simm.s32 $0x1;
	s14 =	simm.s32 $0x0  }
0x4: {  	[smem:$0x7FF] =	sst s1;
	s6 =	sand.u32 $0x1, s2;
	s3 =	sadd.s32 $0x499C00, s5  }
0x5: {  	s2 =	stileid.u32;
	s4 =	sadd.s32 $0x109C00, s5;
	_ =	strace $0x8000004A  }
0x6: {  	s7 =	ssub.s32 $0x2, s6;
	s8 =	sshll.u32 s2, $0x10;
	s29 =	smul.u32 $0x18800, s2  }
0x7: {  	s30 =	sshll.u32 s6, $0xF;
	s10 =	smul.u32 $0xC400, s6;
	s31 =	sshll.u32 s2, $0xB  }
0x8: {  	s11 =	sshll.u32 s6, $0xA;
	s9 =	sshrl.u32 s7, $0x1;
	s8 =	sadd.s32 s8, s5  }
0x9: {  	s28 =	ssub.s32 s7, s9;
	s7 =	sadd.s32 s30, s8;
	s8 =	sadd.s32 s10, s29  }
0xa: {  	s9 =	simm.s32 $0x2;
	s10 =	simm.s32 $0x20;
	s5 =	smax.u32 s28, $0x1  }
0xb: {  	s6 =	sadd.s32 $0x111C00, s7;
	s7 =	sor.u32 s11, s31;
	s11 =	simm.s32 $0x80  }
.LBB2_1:
0xc: {  	s15 =	sadd.s32 $0x0, s7;
	s16 =	sand.u32 $0x70, s1  }
0xd: {  	s15 =	sand.u32 $0x7F80, s15;
	s16 =	sadd.s32 s4, s16  }
0xe: {  	s15 =	sadd.s32 s15, s16  }
0xf: {  	[tilespmem:s1], [sflag:$0x2] =	stream.linear.gather [hbm4b:s15+s1], $0x80, $0x38;
	[tilespmem:$0x1100] =	vst v63  }
0x10: {  	_ =	swait.ge [sflag:s9], $0x80  }
0x11: {  	[sflag:s9] =	ssyncset.done $0x0  }
0x12: {  	[sflag:s9] =	ssyncadd.s32 $0xFFFFFF80  }
0x13: {  	v0 =	vld [tilespmem:$0x0]  }
0x14: {  	v1 =	vld [tilespmem:$0x10];
	_ =	sdelay $0x3  }
0x15: {  	v0 =	vadd.s32 s8, v0  }
0x16: {  	v63 =	vadd.s32 s8, v1;
	[tilespmem:$0x80] =	vst v0  }
0x17: {  	[tilespmem:$0x90] =	vst v63  }
0x18: {  	[tilespmem:s12], [sflag:$0x1] =	stream.indirect.gather [hbm4b:s3+s10], $0x80, s11, s10, $0xb8;
	[tilespmem:$0x1100] =	vst v63  }
0x19: {  	_ =	swait.ge [sflag:s13], $0x1000  }
0x1a: {  	s19 =	simm.s32 $0x10;
	s17 =	simm.s32 $0x20;
	[sflag:s13] =	ssyncset.done $0x0  }
0x1b: {  	s18 =	sadd.s32 $0x10, s7;
	s19 =	sand.u32 $0x70, s19;
	[sflag:s13] =	ssyncadd.s32 $0xFFFFF000  }
0x1c: {  	[hbm4b:s6+s1] =	stream.linear.scatter [tilespmem:s12], [sflag:$0x2], $0x1000, $0x38;
	[tilespmem:$0x1100] =	vst v63  }
0x1d: {  	s16 =	sadd.s32 $0x310, s8;
	s15 =	sadd.s32 $0x200, s6;
	_ =	swait.ge [sflag:s9], $0x1000  }
.LBB2_2:
0x1e: {  	s18 =	sand.u32 $0x7F80, s18;
	s19 =	sadd.s32 s4, s19  }
0x1f: {  	[sflag:s9] =	ssyncset.done $0x0;
	s20 =	smov.u32 s17;
	s21 =	smov.u32 s15  }
0x20: {  	s22 =	sadd.s32 $0x10, s17;
	s18 =	sadd.s32 s18, s19;
	[sflag:s9] =	ssyncadd.s32 $0xFFFFF000  }
0x21: {  	[tilespmem:s1], [sflag:$0x2] =	stream.linear.gather [hbm4b:s18+s1], $0x80, $0x38;
	[tilespmem:$0x1100] =	vst v63  }
0x22: {  	p0 =	sne.s32 s17, $0x3F0;
	_ =	swait.ge [sflag:s9], $0x80  }
0x23: {  	[sflag:s9] =	ssyncset.done $0x0  }
0x24: {  	[sflag:s9] =	ssyncadd.s32 $0xFFFFFF80  }
0x25: {  	v0 =	vld [tilespmem:$0x0]  }
0x26: {  	v1 =	vld [tilespmem:$0x10];
	_ =	sdelay $0x3  }
0x27: {  	v0 =	vadd.s32 s16, v0  }
0x28: {  	[tilespmem:$0x80] =	vst v0;
	v0 =	vadd.s32 s16, v1  }
0x29: {  	[tilespmem:$0x90] =	vst v0  }
0x2a: {  	[tilespmem:s12], [sflag:$0x1] =	stream.indirect.gather [hbm4b:s3+s10], $0x80, s11, s10, $0xb8;
	[tilespmem:$0x1100] =	vst v63  }
.Ltmp0:
0x2b: {  	_ =	swait.ge [sflag:s13], $0x1000;
	(pc) =	sbr.rel @p0 .LBB2_2-.Ltmp0, $4  }
0x2c: {  	s15 =	sadd.s32 $0x200, s15;
	[sflag:s13] =	ssyncset.done $0x0  }
0x2d: {  	s19 =	sand.u32 $0x70, s20;
	s16 =	sadd.s32 $0x310, s16;
	[sflag:s13] =	ssyncadd.s32 $0xFFFFF000  }
0x2e: {  	[hbm4b:s21+s1] =	stream.linear.scatter [tilespmem:s12], [sflag:$0x2], $0x1000, $0x38;
	[tilespmem:$0x1100] =	vst v63  }
0x2f: {  	s17 =	smov.u32 s22;
	s18 =	sadd.s32 s20, s7;
	_ =	swait.ge [sflag:s9], $0x1000  }
0x30: {  	s17 =	sand.u32 $0x7F80, s18;
	s31 =	sadd.s32 s4, s19;
	[sflag:s9] =	ssyncset.done $0x0  }
0x31: {  	s17 =	sadd.s32 s17, s31;
	[sflag:s9] =	ssyncadd.s32 $0xFFFFF000  }
0x32: {  	[tilespmem:s1], [sflag:$0x2] =	stream.linear.gather [hbm4b:s17+s1], $0x80, $0x38;
	[tilespmem:$0x1100] =	vst v63  }
0x33: {  	_ =	swait.ge [sflag:s9], $0x80  }
0x34: {  	[sflag:s9] =	ssyncset.done $0x0  }
0x35: {  	[sflag:s9] =	ssyncadd.s32 $0xFFFFFF80  }
0x36: {  	v0 =	vld [tilespmem:$0x0]  }
0x37: {  	v1 =	vld [tilespmem:$0x10];
	_ =	sdelay $0x3  }
0x38: {  	v0 =	vadd.s32 s16, v0  }
0x39: {  	v63 =	vadd.s32 s16, v1;
	[tilespmem:$0x80] =	vst v0  }
0x3a: {  	[tilespmem:$0x90] =	vst v63  }
0x3b: {  	[tilespmem:s12], [sflag:$0x1] =	stream.indirect.gather [hbm4b:s3+s10], $0x80, s11, s10, $0xb8;
	[tilespmem:$0x1100] =	vst v63  }
0x3c: {  	s14 =	sadd.s32 $0x1, s14;
	_ =	swait.ge [sflag:s13], $0x1000  }
0x3d: {  	p0 =	sne.s32 s14, s5;
	[sflag:s13] =	ssyncset.done $0x0  }
.Ltmp1:
0x3e: {  	[sflag:s13] =	ssyncadd.s32 $0xFFFFF000;
	(pc) =	sbr.rel @p0 .LBB2_1-.Ltmp1, $4  }
0x3f: {  	[hbm4b:s15+s1] =	stream.linear.scatter [tilespmem:s12], [sflag:$0x2], $0x1000, $0x38;
	[tilespmem:$0x1100] =	vst v63  }
0x40: {  	_ =	swait.ge [sflag:s9], $0x1000  }
0x41: {  	[sflag:s9] =	ssyncset.done $0x0  }
0x42: {  	[sflag:s9] =	ssyncadd.s32 $0xFFFFF000  }
0x43: {  	_ =	sfence.sel $0x180000  }
0x44: {  	[bflag:$0x0] =	sbarrier.arrive $0xFFFF  }
0x45: {  	p0 =	sne.s32 s2, $0x0;
	_ =	strace $0x9000004A  }
0x46: {  	s0 =	sadd.s32 @!p0 $0x100000, s0;
	[bflag:$0x2] =	sbarrier.arrive $0xFFFF  }
0x47: {  	[sflag:s0] =	ssyncadd.tile.s32 @!p0 $0x1;
	_ =	shalt  }
.Lfunc_end2:
_tile_overlayer_lowered:
.L_overlay_start_2:
0x48: {  	(tag) =	ssettag $0x2  }
0x49: {  	s0 =	rddreg [dreg:$0x0];
	s2 =	stileid.u32  }
0x4a: {  	s1 =	rddreg [dreg:$0x1];
	p0 =	sne.s32 s2, $0x0  }
0x4b: {  	s3 =	rddreg [dreg:$0x2];
	[bflag:$0x3] =	sbarrier.arrive $0xFFFF;
	s2 =	simm.s32 @!p0 $0x1C02  }
0x4c: {  	[timem:s3], [sflag:s2] =	dma.local @!p0 [hbm:s0], s1  }
0x4d: {  	s0 =	simm.s32 @!p0 $0x2  }
0x4e: {  	_ =	swait.ge @!p0 [sflag:s0], s1  }
0x4f: {  	s1 =	ssub.s32 @!p0 $0x0, s1;
	[sflag:s0] =	ssyncset.done @!p0 $0x0  }
0x50: {  	[sflag:s0] =	ssyncadd.s32 @!p0 s1  }
0x51: {  	[bflag:$0x3] =	sbarrier.arrive $0xFFFF  }
0x52: {  	_ =	shalt  }

</sc_bundles>
